<compile_context>
chip_gen: v7x
topology: tpu7x:2x2x1
jax: 0.10.2.dev20260603
libtpu: 0.0.44.dev20260713+nightly
codegen_flags: <defaults>
</compile_context>

<pallas_src>
import functools

import jax
import jax.numpy as jnp
from jax import lax
from jax.experimental import pallas as pl
from jax.experimental.pallas import tpu as pltpu
from jax.experimental.pallas import tpu_sc as plsc

N_NODES = 10000
N_EDGES = 320000
IN_DIM = 128
HID = 32

NC = 2
NS = 16
NW = NC * NS
CH = 128
K = 80
NBUF = 4
E_PAD = NW * CH * K
N_PAD = 10112
RPT = N_PAD // NS
CNT_W = 16


def _proj_body(x_ref, e_ref, wl_ref, wr_ref, xl_ref, y_ref, src_ref,
               dst_ref):
    x = x_ref[...]
    dn = (((1,), (1,)), ((), ()))
    xl_ref[...] = lax.dot_general(x, wl_ref[...], dn,
                                  preferred_element_type=jnp.float32)
    y_ref[:N_NODES, :] = lax.dot_general(x, wr_ref[...], dn,
                                         preferred_element_type=jnp.float32)
    y_ref[N_NODES:, :] = jnp.zeros((N_PAD - N_NODES, HID), jnp.float32)
    pad = E_PAD - N_EDGES
    src_ref[...] = jnp.concatenate(
        [e_ref[0], jnp.zeros((pad,), jnp.int32)]).reshape(NW, K, CH)
    dst_ref[...] = jnp.concatenate(
        [e_ref[1], jnp.full((pad,), N_NODES, jnp.int32)]).reshape(NW, K, CH)


def _sc_body(y_hbm, src_hbm, dst_hbm, ones_hbm, zc_hbm, acc_hbm, cnt_hbm,
             src_v, dst_v, rows_v, ones_v, y_sh, acc_sh, cnt_sh, *sg):
    cid = lax.axis_index("c")
    sid = lax.axis_index("s")
    wid = sid * NC + cid

    zero16 = jnp.zeros((16,), jnp.float32)

    def _zrow(i, _):
        rows_v[0, i, pl.ds(0, 16)] = zero16
        rows_v[0, i, pl.ds(16, 16)] = zero16
        return 0

    lax.fori_loop(0, CH, _zrow, 0)

    pltpu.sync_copy(ones_hbm, ones_v)

    row0 = sid * RPT
    pltpu.sync_copy(zc_hbm, cnt_sh.at[pl.ds(row0, RPT)])
    off = 0
    for nr in (128, 128, 128, 128, RPT - 4 * 128):
        pltpu.sync_copy(rows_v.at[0, pl.ds(0, nr)],
                        acc_sh.at[pl.ds(row0 + off, nr)])
        off += nr

    pltpu.sync_copy(src_hbm.at[wid], src_v)
    pltpu.sync_copy(dst_hbm.at[wid], dst_v)
    pltpu.sync_copy(y_hbm.at[pl.ds(row0, RPT)], y_sh.at[pl.ds(row0, RPT)])

    plsc.subcore_barrier()

    def _gather(j, q):
        pltpu.async_copy(y_sh.at[src_v.at[j]], rows_v.at[q], sg[q])

    for j in range(NBUF - 1):
        _gather(j, j)

    def _round(i, _):
        for q in range(NBUF):
            j = NBUF * i + q
            pltpu.make_async_copy(y_sh.at[src_v.at[j]], rows_v.at[q],
                                  sg[q]).wait()

            qn = (q + NBUF - 1) % NBUF

            @pl.when(j + NBUF - 1 < K)
            def _pf():
                _gather(j + NBUF - 1, qn)

            pltpu.sync_copy(rows_v.at[q], acc_sh.at[dst_v.at[j]], add=True)
            pltpu.sync_copy(ones_v, cnt_sh.at[dst_v.at[j]], add=True)
        return 0

    lax.fori_loop(0, K // NBUF, _round, 0)

    plsc.subcore_barrier()

    pltpu.sync_copy(acc_sh.at[pl.ds(row0, RPT)],
                    acc_hbm.at[cid, pl.ds(row0, RPT)])
    pltpu.sync_copy(cnt_sh.at[pl.ds(row0, RPT)],
                    cnt_hbm.at[cid, pl.ds(row0, RPT)])


def _update_body(xl_ref, acc_ref, cnt_ref, w1_ref, b1_ref, w2_ref, b2_ref,
                 o_ref):
    agg = acc_ref[0, :N_NODES, :] + acc_ref[1, :N_NODES, :]
    cnt = (cnt_ref[0, :N_NODES, 0:1].astype(jnp.float32)
           + cnt_ref[1, :N_NODES, 0:1].astype(jnp.float32))
    agg = agg / jnp.maximum(cnt, 1.0)
    out = xl_ref[...] + agg
    nrm = jnp.sqrt(jnp.sum(out * out, axis=1, keepdims=True))
    out = out / jnp.maximum(nrm, 1e-12)
    out = jnp.maximum(out, 0.0)
    dn = (((1,), (1,)), ((), ()))
    h = lax.dot_general(out, w1_ref[...], dn,
                        preferred_element_type=jnp.float32) + b1_ref[...]
    h = lax.dot_general(h, w2_ref[...], dn,
                        preferred_element_type=jnp.float32) + b2_ref[...]
    m = jnp.max(h, axis=1, keepdims=True)
    e = jnp.exp(h - m)
    s = jnp.sum(e, axis=1, keepdims=True)
    o_ref[...] = h - m - jnp.log(s)


_proj = pl.pallas_call(
    _proj_body,
    out_shape=(jax.ShapeDtypeStruct((N_NODES, HID), jnp.float32),
               jax.ShapeDtypeStruct((N_PAD, HID), jnp.float32),
               jax.ShapeDtypeStruct((NW, K, CH), jnp.int32),
               jax.ShapeDtypeStruct((NW, K, CH), jnp.int32)),
)

@functools.cache
def _make_sc_agg():
    return functools.partial(
        pl.kernel,
        out_type=(jax.ShapeDtypeStruct((NC, N_PAD, HID), jnp.float32),
                  jax.ShapeDtypeStruct((NC, N_PAD, CNT_W), jnp.int16)),
        mesh=plsc.VectorSubcoreMesh(core_axis_name="c", subcore_axis_name="s",
                                    num_cores=NC, num_subcores=NS),
        compiler_params=pltpu.CompilerParams(use_tc_tiling_on_sc=False),
        scratch_types=[
            pltpu.VMEM((K, CH), jnp.int32),
            pltpu.VMEM((K, CH), jnp.int32),
            pltpu.VMEM((NBUF, CH, HID), jnp.float32),
            pltpu.VMEM((CH, CNT_W), jnp.int16),
            pltpu.VMEM_SHARED((N_PAD, HID), jnp.float32),
            pltpu.VMEM_SHARED((N_PAD, HID), jnp.float32),
            pltpu.VMEM_SHARED((N_PAD, CNT_W), jnp.int16),
        ] + [pltpu.SemaphoreType.DMA] * NBUF,
    )(_sc_body)

_update = pl.pallas_call(
    _update_body,
    out_shape=jax.ShapeDtypeStruct((N_NODES, HID), jnp.float32),
)


def kernel(x, edge_index, Wl, Wr, W1, b1, W2, b2):
    xl, y, src_p, dst_p = _proj(x, edge_index.astype(jnp.int32), Wl, Wr)

    ones16 = jnp.ones((CH, CNT_W), jnp.int16)
    zcnt = jnp.zeros((RPT, CNT_W), jnp.int16)
    acc, cnt = _make_sc_agg()(y, src_p, dst_p, ones16, zcnt)

    return _update(xl, acc, cnt, W1, b1.reshape(1, HID), W2,
                   b2.reshape(1, HID))

# --- scband reference (transcript-rebuilt; emitter-appended) ---
"""Pipeline reference for scband-gnnstack-86466281603776 (READ-ONLY COPY).

The authoritative reference and input builder live on the scoring server;
editing this copy changes nothing except your own understanding.
"""

import jax, jax.numpy as jnp
import numpy as np

N_NODES = 10000
N_EDGES = 320000
IN_DIM = 128
HID = 32
OUT_DIM = 32

def setup_inputs(seed: int = 0) -> dict:
    key = jax.random.key(seed)
    k = jax.random.split(key, 8)
    x = jax.random.normal(k[0], (N_NODES, IN_DIM), dtype=jnp.float32)
    edge_index = jax.random.randint(k[1], (2, N_EDGES), 0, N_NODES, dtype=jnp.int64)
    s = 1.0 / np.sqrt(IN_DIM)
    Wl = jax.random.uniform(k[2], (HID, IN_DIM), minval=-s, maxval=s, dtype=jnp.float32)
    Wr = jax.random.uniform(k[3], (HID, IN_DIM), minval=-s, maxval=s, dtype=jnp.float32)
    s2 = 1.0 / np.sqrt(HID)
    W1 = jax.random.uniform(k[4], (HID, HID), minval=-s2, maxval=s2, dtype=jnp.float32)
    b1 = jax.random.uniform(k[5], (HID,), minval=-s2, maxval=s2, dtype=jnp.float32)
    W2 = jax.random.uniform(k[6], (OUT_DIM, HID), minval=-s2, maxval=s2, dtype=jnp.float32)
    b2 = jax.random.uniform(k[7], (OUT_DIM,), minval=-s2, maxval=s2, dtype=jnp.float32)
    return {"x": x, "edge_index": edge_index, "Wl": Wl, "Wr": Wr, "W1": W1, "b1": b1, "W2": W2, "b2": b2}

def reference(x, edge_index, Wl, Wr, W1, b1, W2, b2):
    n = x.shape[0]
    src = edge_index[0]
    dst = edge_index[1]
    # message: x_j (gather source node features)
    msgs = jnp.take(x, src, axis=0)
    # aggregate: scatter-mean at destination nodes
    summed = jax.ops.segment_sum(msgs, dst, num_segments=n)
    counts = jax.ops.segment_sum(jnp.ones((msgs.shape[0],), dtype=x.dtype), dst, num_segments=n)
    agg = summed / jnp.clip(counts, 1.0, None)[:, None]
    # GraphSage update
    out = x @ Wl.T + agg @ Wr.T
    # F.normalize (L2 over dim=1, eps=1e-12)
    norm = jnp.sqrt(jnp.sum(out * out, axis=1, keepdims=True))
    out = out / jnp.maximum(norm, 1e-12)
    # relu + dropout (eval mode -> identity)
    out = jax.nn.relu(out)
    # post_mp: Linear -> Dropout(identity) -> Linear
    h = out @ W1.T + b1
    h = h @ W2.T + b2
    # emb=False -> log_softmax
    return jax.nn.log_softmax(h, axis=1)

if __name__ == "__main__":
    import jax
    _d = setup_inputs()
    print(jax.jit(kernel)(*tuple(_d.values())))

</pallas_src>

<mosaic_0001>
#map = affine_map<(d0, d1) -> (0, 0)>
#map1 = affine_map<(d0, d1) -> (0, 0, 0)>
module attributes {stable_mosaic.version = 14 : i64} {
  func.func @_sc_body(%arg0: i32, %arg1: i32, %arg2: memref<10112x32xf32, #tpu.memory_space<hbm>>, %arg3: memref<32x80x128xi32, #tpu.memory_space<hbm>>, %arg4: memref<32x80x128xi32, #tpu.memory_space<hbm>>, %arg5: memref<128x16xi16, #tpu.memory_space<hbm>>, %arg6: memref<632x16xi16, #tpu.memory_space<hbm>>, %arg7: memref<2x10112x32xf32, #tpu.memory_space<hbm>>, %arg8: memref<2x10112x16xi16, #tpu.memory_space<hbm>>, %arg9: memref<80x128xi32, #tpu.memory_space<vmem>>, %arg10: memref<80x128xi32, #tpu.memory_space<vmem>>, %arg11: memref<4x128x32xf32, #tpu.memory_space<vmem>>, %arg12: memref<128x16xi16, #tpu.memory_space<vmem>>, %arg13: memref<10112x32xf32, #tpu.memory_space<vmem_shared>>, %arg14: memref<10112x32xf32, #tpu.memory_space<vmem_shared>>, %arg15: memref<10112x16xi16, #tpu.memory_space<vmem_shared>>, %arg16: memref<!tpu.dma_semaphore, #tpu.memory_space<semaphore_mem>>, %arg17: memref<!tpu.dma_semaphore, #tpu.memory_space<semaphore_mem>>, %arg18: memref<!tpu.dma_semaphore, #tpu.memory_space<semaphore_mem>>, %arg19: memref<!tpu.dma_semaphore, #tpu.memory_space<semaphore_mem>>) attributes {dimension_semantics = [#tpu.dimension_semantics<core_parallel>, #tpu.dimension_semantics<subcore_parallel>], iteration_bounds = array<i64: 2, 16>, scalar_prefetch = 0 : i64, scratch_operands = 11 : i64, tpu.core_type = #tpu.core_type<sc_vector_subcore>, window_params = [{transform_indices = #map}, {transform_indices = #map1}, {transform_indices = #map1}, {transform_indices = #map}, {transform_indices = #map}, {transform_indices = #map1}, {transform_indices = #map1}]} {
    %mul3A = arith.constant 2 : i32
    %mul3A_0 = arith.muli %arg1, %mul3A : i32
    %add3A = arith.addi %mul3A_0, %arg0 : i32
    %broadcast_in_dim3A = arith.constant 0.000000e+00 : f32
    %broadcast_in_dim3A_1 = vector.broadcast %broadcast_in_dim3A : f32 to vector<16xf32>
    %scan3A = arith.constant 0 : i32
    %scan3A_2 = arith.constant 0 : i32
    %scan3A_3 = arith.constant 128 : i32
    %scan3A_4 = arith.addi %scan3A_2, %scan3A_3 : i32
    %scan3A_5 = arith.constant 1 : i32
    %scan3A_6 = scf.for %scan3A_67 = %scan3A_2 to %scan3A_4 step %scan3A_5 iter_args(%scan3A_68 = %scan3A) -> (i32)  : i32 {
      %swap3A = arith.constant 0 : i32
      %swap3A_69 = arith.index_cast %swap3A : i32 to index
      %swap3A_70 = arith.index_cast %scan3A_67 : i32 to index
      %swap3A_71 = arith.constant 0 : index
      %swap3A_72 = tpu.vector_load %arg11[%swap3A_69, %swap3A_70, %swap3A_71] {strides = array<i32>} : memref<4x128x32xf32, #tpu.memory_space<vmem>>, vector<1x1x16xf32>,
      %swap3A_73 = vector.shape_cast %swap3A_72 : vector<1x1x16xf32> to vector<16xf32>
      %swap3A_74 = vector.shape_cast %broadcast_in_dim3A_1 : vector<16xf32> to vector<1x1x16xf32>
      tpu.vector_store %arg11[%swap3A_69, %swap3A_70, %swap3A_71], %swap3A_74 {strides = array<i32>} : memref<4x128x32xf32, #tpu.memory_space<vmem>>, vector<1x1x16xf32>,
      %swap3A_75 = arith.constant 0 : i32
      %swap3A_76 = arith.index_cast %swap3A_75 : i32 to index
      %swap3A_77 = arith.index_cast %scan3A_67 : i32 to index
      %swap3A_78 = arith.constant 16 : index
      %swap3A_79 = tpu.vector_load %arg11[%swap3A_76, %swap3A_77, %swap3A_78] {strides = array<i32>} : memref<4x128x32xf32, #tpu.memory_space<vmem>>, vector<1x1x16xf32>,
      %swap3A_80 = vector.shape_cast %swap3A_79 : vector<1x1x16xf32> to vector<16xf32>
      %swap3A_81 = vector.shape_cast %broadcast_in_dim3A_1 : vector<16xf32> to vector<1x1x16xf32>
      tpu.vector_store %arg11[%swap3A_76, %swap3A_77, %swap3A_78], %swap3A_81 {strides = array<i32>} : memref<4x128x32xf32, #tpu.memory_space<vmem>>, vector<1x1x16xf32>,
      %scan3A_82 = arith.constant 0 : i32
      scf.yield %scan3A_82 : i32
    }
    %scan3A_7 = arith.constant 128 : i32
    "tpu.region"() ({
      %run_scoped3A_67 = tpu.sem_alloc : memref<!tpu.dma_semaphore, #tpu.memory_space<semaphore_mem>>
      tpu.enqueue_dma source(%arg5 : memref<128x16xi16, #tpu.memory_space<hbm>>) target(%arg12 : memref<128x16xi16, #tpu.memory_space<vmem>>) target_semaphore(%run_scoped3A_67 : memref<!tpu.dma_semaphore, #tpu.memory_space<semaphore_mem>>)
      tpu.wait_dma2 semaphore(%run_scoped3A_67 : memref<!tpu.dma_semaphore, #tpu.memory_space<semaphore_mem>>) src(%arg5 : memref<128x16xi16, #tpu.memory_space<hbm>>) dst(%arg12 : memref<128x16xi16, #tpu.memory_space<vmem>>)
      tpu.yield
    }) : () -> ()
    %mul3A_8 = arith.constant 632 : i32
    %mul3A_9 = arith.muli %arg1, %mul3A_8 : i32
    "tpu.region"() ({
      %run_scoped3A_67 = tpu.sem_alloc : memref<!tpu.dma_semaphore, #tpu.memory_space<semaphore_mem>>
      %dma_start3A_68 = arith.constant 0 : i32
      %dma_start3A_69 = tpu.memref_slice %arg15[%mul3A_9, %dma_start3A_68] : memref<10112x16xi16, #tpu.memory_space<vmem_shared>> -> memref<632x16xi16, #tpu.memory_space<vmem_shared>>
      tpu.enqueue_dma source(%arg6 : memref<632x16xi16, #tpu.memory_space<hbm>>) target(%dma_start3A_69 : memref<632x16xi16, #tpu.memory_space<vmem_shared>>) target_semaphore(%run_scoped3A_67 : memref<!tpu.dma_semaphore, #tpu.memory_space<semaphore_mem>>)
      %dma_wait3A = arith.constant 0 : i32
      %dma_wait3A_70 = tpu.memref_slice %arg15[%mul3A_9, %dma_wait3A] : memref<10112x16xi16, #tpu.memory_space<vmem_shared>> -> memref<632x16xi16, #tpu.memory_space<vmem_shared>>
      tpu.wait_dma2 semaphore(%run_scoped3A_67 : memref<!tpu.dma_semaphore, #tpu.memory_space<semaphore_mem>>) src(%arg6 : memref<632x16xi16, #tpu.memory_space<hbm>>) dst(%dma_wait3A_70 : memref<632x16xi16, #tpu.memory_space<vmem_shared>>)
      tpu.yield
    }) : () -> ()
    %add3A_10 = arith.constant 0 : i32
    %add3A_11 = arith.addi %mul3A_9, %add3A_10 : i32
    %run_scoped3A = arith.constant 0 : i32
    "tpu.region"() ({
      %run_scoped3A_67 = tpu.sem_alloc : memref<!tpu.dma_semaphore, #tpu.memory_space<semaphore_mem>>
      %dma_start3A_68 = arith.constant 0 : i32
      %dma_start3A_69 = arith.constant 0 : i32
      %dma_start3A_70 = tpu.memref_slice %arg11[%run_scoped3A, %dma_start3A_68, %dma_start3A_69] : memref<4x128x32xf32, #tpu.memory_space<vmem>> -> memref<1x128x32xf32, #tpu.memory_space<vmem>>
      %dma_start3A_71 = tpu.memref_squeeze %dma_start3A_70 : memref<1x128x32xf32, #tpu.memory_space<vmem>> -> memref<128x32xf32, #tpu.memory_space<vmem>>
      %dma_start3A_72 = arith.constant 0 : i32
      %dma_start3A_73 = tpu.memref_slice %arg14[%add3A_11, %dma_start3A_72] : memref<10112x32xf32, #tpu.memory_space<vmem_shared>> -> memref<128x32xf32, #tpu.memory_space<vmem_shared>>
      %dma_start3A_74 = arith.constant 0 : i32
      %dma_start3A_75 = tpu.memref_slice %arg14[%add3A_11, %dma_start3A_74] : memref<10112x32xf32, #tpu.memory_space<vmem_shared>> -> memref<128x32xf32, #tpu.memory_space<vmem_shared>>
      %dma_start3A_76 = arith.constant 0 : i32
      %dma_start3A_77 = arith.constant 0 : i32
      %dma_start3A_78 = tpu.memref_slice %arg11[%run_scoped3A, %dma_start3A_76, %dma_start3A_77] : memref<4x128x32xf32, #tpu.memory_space<vmem>> -> memref<1x128x32xf32, #tpu.memory_space<vmem>>
      %dma_start3A_79 = tpu.memref_squeeze %dma_start3A_78 : memref<1x128x32xf32, #tpu.memory_space<vmem>> -> memref<128x32xf32, #tpu.memory_space<vmem>>
      tpu.enqueue_dma source(%dma_start3A_79 : memref<128x32xf32, #tpu.memory_space<vmem>>) target(%dma_start3A_75 : memref<128x32xf32, #tpu.memory_space<vmem_shared>>) target_semaphore(%run_scoped3A_67 : memref<!tpu.dma_semaphore, #tpu.memory_space<semaphore_mem>>)
      %dma_wait3A = arith.constant 0 : i32
      %dma_wait3A_80 = arith.constant 0 : i32
      %dma_wait3A_81 = tpu.memref_slice %arg11[%run_scoped3A, %dma_wait3A, %dma_wait3A_80] : memref<4x128x32xf32, #tpu.memory_space<vmem>> -> memref<1x128x32xf32, #tpu.memory_space<vmem>>
      %dma_wait3A_82 = tpu.memref_squeeze %dma_wait3A_81 : memref<1x128x32xf32, #tpu.memory_space<vmem>> -> memref<128x32xf32, #tpu.memory_space<vmem>>
      %dma_wait3A_83 = arith.constant 0 : i32
      %dma_wait3A_84 = tpu.memref_slice %arg14[%add3A_11, %dma_wait3A_83] : memref<10112x32xf32, #tpu.memory_space<vmem_shared>> -> memref<128x32xf32, #tpu.memory_space<vmem_shared>>
      %dma_wait3A_85 = arith.constant 0 : i32
      %dma_wait3A_86 = tpu.memref_slice %arg14[%add3A_11, %dma_wait3A_85] : memref<10112x32xf32, #tpu.memory_space<vmem_shared>> -> memref<128x32xf32, #tpu.memory_space<vmem_shared>>
      %dma_wait3A_87 = arith.constant 0 : i32
      %dma_wait3A_88 = arith.constant 0 : i32
      %dma_wait3A_89 = tpu.memref_slice %arg11[%run_scoped3A, %dma_wait3A_87, %dma_wait3A_88] : memref<4x128x32xf32, #tpu.memory_space<vmem>> -> memref<1x128x32xf32, #tpu.memory_space<vmem>>
      %dma_wait3A_90 = tpu.memref_squeeze %dma_wait3A_89 : memref<1x128x32xf32, #tpu.memory_space<vmem>> -> memref<128x32xf32, #tpu.memory_space<vmem>>
      tpu.wait_dma2 semaphore(%run_scoped3A_67 : memref<!tpu.dma_semaphore, #tpu.memory_space<semaphore_mem>>) src(%dma_wait3A_90 : memref<128x32xf32, #tpu.memory_space<vmem>>) dst(%dma_wait3A_86 : memref<128x32xf32, #tpu.memory_space<vmem_shared>>)
      tpu.yield
    }) : () -> ()
    %add3A_12 = arith.constant 128 : i32
    %add3A_13 = arith.addi %mul3A_9, %add3A_12 : i32
    %run_scoped3A_14 = arith.constant 0 : i32
    "tpu.region"() ({
      %run_scoped3A_67 = tpu.sem_alloc : memref<!tpu.dma_semaphore, #tpu.memory_space<semaphore_mem>>
      %dma_start3A_68 = arith.constant 0 : i32
      %dma_start3A_69 = arith.constant 0 : i32
      %dma_start3A_70 = tpu.memref_slice %arg11[%run_scoped3A_14, %dma_start3A_68, %dma_start3A_69] : memref<4x128x32xf32, #tpu.memory_space<vmem>> -> memref<1x128x32xf32, #tpu.memory_space<vmem>>
      %dma_start3A_71 = tpu.memref_squeeze %dma_start3A_70 : memref<1x128x32xf32, #tpu.memory_space<vmem>> -> memref<128x32xf32, #tpu.memory_space<vmem>>
      %dma_start3A_72 = arith.constant 0 : i32
      %dma_start3A_73 = tpu.memref_slice %arg14[%add3A_13, %dma_start3A_72] : memref<10112x32xf32, #tpu.memory_space<vmem_shared>> -> memref<128x32xf32, #tpu.memory_space<vmem_shared>>
      %dma_start3A_74 = arith.constant 0 : i32
      %dma_start3A_75 = tpu.memref_slice %arg14[%add3A_13, %dma_start3A_74] : memref<10112x32xf32, #tpu.memory_space<vmem_shared>> -> memref<128x32xf32, #tpu.memory_space<vmem_shared>>
      %dma_start3A_76 = arith.constant 0 : i32
      %dma_start3A_77 = arith.constant 0 : i32
      %dma_start3A_78 = tpu.memref_slice %arg11[%run_scoped3A_14, %dma_start3A_76, %dma_start3A_77] : memref<4x128x32xf32, #tpu.memory_space<vmem>> -> memref<1x128x32xf32, #tpu.memory_space<vmem>>
      %dma_start3A_79 = tpu.memref_squeeze %dma_start3A_78 : memref<1x128x32xf32, #tpu.memory_space<vmem>> -> memref<128x32xf32, #tpu.memory_space<vmem>>
      tpu.enqueue_dma source(%dma_start3A_79 : memref<128x32xf32, #tpu.memory_space<vmem>>) target(%dma_start3A_75 : memref<128x32xf32, #tpu.memory_space<vmem_shared>>) target_semaphore(%run_scoped3A_67 : memref<!tpu.dma_semaphore, #tpu.memory_space<semaphore_mem>>)
      %dma_wait3A = arith.constant 0 : i32
      %dma_wait3A_80 = arith.constant 0 : i32
      %dma_wait3A_81 = tpu.memref_slice %arg11[%run_scoped3A_14, %dma_wait3A, %dma_wait3A_80] : memref<4x128x32xf32, #tpu.memory_space<vmem>> -> memref<1x128x32xf32, #tpu.memory_space<vmem>>
      %dma_wait3A_82 = tpu.memref_squeeze %dma_wait3A_81 : memref<1x128x32xf32, #tpu.memory_space<vmem>> -> memref<128x32xf32, #tpu.memory_space<vmem>>
      %dma_wait3A_83 = arith.constant 0 : i32
      %dma_wait3A_84 = tpu.memref_slice %arg14[%add3A_13, %dma_wait3A_83] : memref<10112x32xf32, #tpu.memory_space<vmem_shared>> -> memref<128x32xf32, #tpu.memory_space<vmem_shared>>
      %dma_wait3A_85 = arith.constant 0 : i32
      %dma_wait3A_86 = tpu.memref_slice %arg14[%add3A_13, %dma_wait3A_85] : memref<10112x32xf32, #tpu.memory_space<vmem_shared>> -> memref<128x32xf32, #tpu.memory_space<vmem_shared>>
      %dma_wait3A_87 = arith.constant 0 : i32
      %dma_wait3A_88 = arith.constant 0 : i32
      %dma_wait3A_89 = tpu.memref_slice %arg11[%run_scoped3A_14, %dma_wait3A_87, %dma_wait3A_88] : memref<4x128x32xf32, #tpu.memory_space<vmem>> -> memref<1x128x32xf32, #tpu.memory_space<vmem>>
      %dma_wait3A_90 = tpu.memref_squeeze %dma_wait3A_89 : memref<1x128x32xf32, #tpu.memory_space<vmem>> -> memref<128x32xf32, #tpu.memory_space<vmem>>
      tpu.wait_dma2 semaphore(%run_scoped3A_67 : memref<!tpu.dma_semaphore, #tpu.memory_space<semaphore_mem>>) src(%dma_wait3A_90 : memref<128x32xf32, #tpu.memory_space<vmem>>) dst(%dma_wait3A_86 : memref<128x32xf32, #tpu.memory_space<vmem_shared>>)
      tpu.yield
    }) : () -> ()
    %add3A_15 = arith.constant 256 : i32
    %add3A_16 = arith.addi %mul3A_9, %add3A_15 : i32
    %run_scoped3A_17 = arith.constant 0 : i32
    "tpu.region"() ({
      %run_scoped3A_67 = tpu.sem_alloc : memref<!tpu.dma_semaphore, #tpu.memory_space<semaphore_mem>>
      %dma_start3A_68 = arith.constant 0 : i32
      %dma_start3A_69 = arith.constant 0 : i32
      %dma_start3A_70 = tpu.memref_slice %arg11[%run_scoped3A_17, %dma_start3A_68, %dma_start3A_69] : memref<4x128x32xf32, #tpu.memory_space<vmem>> -> memref<1x128x32xf32, #tpu.memory_space<vmem>>
      %dma_start3A_71 = tpu.memref_squeeze %dma_start3A_70 : memref<1x128x32xf32, #tpu.memory_space<vmem>> -> memref<128x32xf32, #tpu.memory_space<vmem>>
      %dma_start3A_72 = arith.constant 0 : i32
      %dma_start3A_73 = tpu.memref_slice %arg14[%add3A_16, %dma_start3A_72] : memref<10112x32xf32, #tpu.memory_space<vmem_shared>> -> memref<128x32xf32, #tpu.memory_space<vmem_shared>>
      %dma_start3A_74 = arith.constant 0 : i32
      %dma_start3A_75 = tpu.memref_slice %arg14[%add3A_16, %dma_start3A_74] : memref<10112x32xf32, #tpu.memory_space<vmem_shared>> -> memref<128x32xf32, #tpu.memory_space<vmem_shared>>
      %dma_start3A_76 = arith.constant 0 : i32
      %dma_start3A_77 = arith.constant 0 : i32
      %dma_start3A_78 = tpu.memref_slice %arg11[%run_scoped3A_17, %dma_start3A_76, %dma_start3A_77] : memref<4x128x32xf32, #tpu.memory_space<vmem>> -> memref<1x128x32xf32, #tpu.memory_space<vmem>>
      %dma_start3A_79 = tpu.memref_squeeze %dma_start3A_78 : memref<1x128x32xf32, #tpu.memory_space<vmem>> -> memref<128x32xf32, #tpu.memory_space<vmem>>
      tpu.enqueue_dma source(%dma_start3A_79 : memref<128x32xf32, #tpu.memory_space<vmem>>) target(%dma_start3A_75 : memref<128x32xf32, #tpu.memory_space<vmem_shared>>) target_semaphore(%run_scoped3A_67 : memref<!tpu.dma_semaphore, #tpu.memory_space<semaphore_mem>>)
      %dma_wait3A = arith.constant 0 : i32
      %dma_wait3A_80 = arith.constant 0 : i32
      %dma_wait3A_81 = tpu.memref_slice %arg11[%run_scoped3A_17, %dma_wait3A, %dma_wait3A_80] : memref<4x128x32xf32, #tpu.memory_space<vmem>> -> memref<1x128x32xf32, #tpu.memory_space<vmem>>
      %dma_wait3A_82 = tpu.memref_squeeze %dma_wait3A_81 : memref<1x128x32xf32, #tpu.memory_space<vmem>> -> memref<128x32xf32, #tpu.memory_space<vmem>>
      %dma_wait3A_83 = arith.constant 0 : i32
      %dma_wait3A_84 = tpu.memref_slice %arg14[%add3A_16, %dma_wait3A_83] : memref<10112x32xf32, #tpu.memory_space<vmem_shared>> -> memref<128x32xf32, #tpu.memory_space<vmem_shared>>
      %dma_wait3A_85 = arith.constant 0 : i32
      %dma_wait3A_86 = tpu.memref_slice %arg14[%add3A_16, %dma_wait3A_85] : memref<10112x32xf32, #tpu.memory_space<vmem_shared>> -> memref<128x32xf32, #tpu.memory_space<vmem_shared>>
      %dma_wait3A_87 = arith.constant 0 : i32
      %dma_wait3A_88 = arith.constant 0 : i32
      %dma_wait3A_89 = tpu.memref_slice %arg11[%run_scoped3A_17, %dma_wait3A_87, %dma_wait3A_88] : memref<4x128x32xf32, #tpu.memory_space<vmem>> -> memref<1x128x32xf32, #tpu.memory_space<vmem>>
      %dma_wait3A_90 = tpu.memref_squeeze %dma_wait3A_89 : memref<1x128x32xf32, #tpu.memory_space<vmem>> -> memref<128x32xf32, #tpu.memory_space<vmem>>
      tpu.wait_dma2 semaphore(%run_scoped3A_67 : memref<!tpu.dma_semaphore, #tpu.memory_space<semaphore_mem>>) src(%dma_wait3A_90 : memref<128x32xf32, #tpu.memory_space<vmem>>) dst(%dma_wait3A_86 : memref<128x32xf32, #tpu.memory_space<vmem_shared>>)
      tpu.yield
    }) : () -> ()
    %add3A_18 = arith.constant 384 : i32
    %add3A_19 = arith.addi %mul3A_9, %add3A_18 : i32
    %run_scoped3A_20 = arith.constant 0 : i32
    "tpu.region"() ({
      %run_scoped3A_67 = tpu.sem_alloc : memref<!tpu.dma_semaphore, #tpu.memory_space<semaphore_mem>>
      %dma_start3A_68 = arith.constant 0 : i32
      %dma_start3A_69 = arith.constant 0 : i32
      %dma_start3A_70 = tpu.memref_slice %arg11[%run_scoped3A_20, %dma_start3A_68, %dma_start3A_69] : memref<4x128x32xf32, #tpu.memory_space<vmem>> -> memref<1x128x32xf32, #tpu.memory_space<vmem>>
      %dma_start3A_71 = tpu.memref_squeeze %dma_start3A_70 : memref<1x128x32xf32, #tpu.memory_space<vmem>> -> memref<128x32xf32, #tpu.memory_space<vmem>>
      %dma_start3A_72 = arith.constant 0 : i32
      %dma_start3A_73 = tpu.memref_slice %arg14[%add3A_19, %dma_start3A_72] : memref<10112x32xf32, #tpu.memory_space<vmem_shared>> -> memref<128x32xf32, #tpu.memory_space<vmem_shared>>
      %dma_start3A_74 = arith.constant 0 : i32
      %dma_start3A_75 = tpu.memref_slice %arg14[%add3A_19, %dma_start3A_74] : memref<10112x32xf32, #tpu.memory_space<vmem_shared>> -> memref<128x32xf32, #tpu.memory_space<vmem_shared>>
      %dma_start3A_76 = arith.constant 0 : i32
      %dma_start3A_77 = arith.constant 0 : i32
      %dma_start3A_78 = tpu.memref_slice %arg11[%run_scoped3A_20, %dma_start3A_76, %dma_start3A_77] : memref<4x128x32xf32, #tpu.memory_space<vmem>> -> memref<1x128x32xf32, #tpu.memory_space<vmem>>
      %dma_start3A_79 = tpu.memref_squeeze %dma_start3A_78 : memref<1x128x32xf32, #tpu.memory_space<vmem>> -> memref<128x32xf32, #tpu.memory_space<vmem>>
      tpu.enqueue_dma source(%dma_start3A_79 : memref<128x32xf32, #tpu.memory_space<vmem>>) target(%dma_start3A_75 : memref<128x32xf32, #tpu.memory_space<vmem_shared>>) target_semaphore(%run_scoped3A_67 : memref<!tpu.dma_semaphore, #tpu.memory_space<semaphore_mem>>)
      %dma_wait3A = arith.constant 0 : i32
      %dma_wait3A_80 = arith.constant 0 : i32
      %dma_wait3A_81 = tpu.memref_slice %arg11[%run_scoped3A_20, %dma_wait3A, %dma_wait3A_80] : memref<4x128x32xf32, #tpu.memory_space<vmem>> -> memref<1x128x32xf32, #tpu.memory_space<vmem>>
      %dma_wait3A_82 = tpu.memref_squeeze %dma_wait3A_81 : memref<1x128x32xf32, #tpu.memory_space<vmem>> -> memref<128x32xf32, #tpu.memory_space<vmem>>
      %dma_wait3A_83 = arith.constant 0 : i32
      %dma_wait3A_84 = tpu.memref_slice %arg14[%add3A_19, %dma_wait3A_83] : memref<10112x32xf32, #tpu.memory_space<vmem_shared>> -> memref<128x32xf32, #tpu.memory_space<vmem_shared>>
      %dma_wait3A_85 = arith.constant 0 : i32
      %dma_wait3A_86 = tpu.memref_slice %arg14[%add3A_19, %dma_wait3A_85] : memref<10112x32xf32, #tpu.memory_space<vmem_shared>> -> memref<128x32xf32, #tpu.memory_space<vmem_shared>>
      %dma_wait3A_87 = arith.constant 0 : i32
      %dma_wait3A_88 = arith.constant 0 : i32
      %dma_wait3A_89 = tpu.memref_slice %arg11[%run_scoped3A_20, %dma_wait3A_87, %dma_wait3A_88] : memref<4x128x32xf32, #tpu.memory_space<vmem>> -> memref<1x128x32xf32, #tpu.memory_space<vmem>>
      %dma_wait3A_90 = tpu.memref_squeeze %dma_wait3A_89 : memref<1x128x32xf32, #tpu.memory_space<vmem>> -> memref<128x32xf32, #tpu.memory_space<vmem>>
      tpu.wait_dma2 semaphore(%run_scoped3A_67 : memref<!tpu.dma_semaphore, #tpu.memory_space<semaphore_mem>>) src(%dma_wait3A_90 : memref<128x32xf32, #tpu.memory_space<vmem>>) dst(%dma_wait3A_86 : memref<128x32xf32, #tpu.memory_space<vmem_shared>>)
      tpu.yield
    }) : () -> ()
    %add3A_21 = arith.constant 512 : i32
    %add3A_22 = arith.addi %mul3A_9, %add3A_21 : i32
    %run_scoped3A_23 = arith.constant 0 : i32
    "tpu.region"() ({
      %run_scoped3A_67 = tpu.sem_alloc : memref<!tpu.dma_semaphore, #tpu.memory_space<semaphore_mem>>
      %dma_start3A_68 = arith.constant 0 : i32
      %dma_start3A_69 = arith.constant 0 : i32
      %dma_start3A_70 = tpu.memref_slice %arg11[%run_scoped3A_23, %dma_start3A_68, %dma_start3A_69] : memref<4x128x32xf32, #tpu.memory_space<vmem>> -> memref<1x120x32xf32, #tpu.memory_space<vmem>>
      %dma_start3A_71 = tpu.memref_squeeze %dma_start3A_70 : memref<1x120x32xf32, #tpu.memory_space<vmem>> -> memref<120x32xf32, #tpu.memory_space<vmem>>
      %dma_start3A_72 = arith.constant 0 : i32
      %dma_start3A_73 = tpu.memref_slice %arg14[%add3A_22, %dma_start3A_72] : memref<10112x32xf32, #tpu.memory_space<vmem_shared>> -> memref<120x32xf32, #tpu.memory_space<vmem_shared>>
      %dma_start3A_74 = arith.constant 0 : i32
      %dma_start3A_75 = tpu.memref_slice %arg14[%add3A_22, %dma_start3A_74] : memref<10112x32xf32, #tpu.memory_space<vmem_shared>> -> memref<120x32xf32, #tpu.memory_space<vmem_shared>>
      %dma_start3A_76 = arith.constant 0 : i32
      %dma_start3A_77 = arith.constant 0 : i32
      %dma_start3A_78 = tpu.memref_slice %arg11[%run_scoped3A_23, %dma_start3A_76, %dma_start3A_77] : memref<4x128x32xf32, #tpu.memory_space<vmem>> -> memref<1x120x32xf32, #tpu.memory_space<vmem>>
      %dma_start3A_79 = tpu.memref_squeeze %dma_start3A_78 : memref<1x120x32xf32, #tpu.memory_space<vmem>> -> memref<120x32xf32, #tpu.memory_space<vmem>>
      tpu.enqueue_dma source(%dma_start3A_79 : memref<120x32xf32, #tpu.memory_space<vmem>>) target(%dma_start3A_75 : memref<120x32xf32, #tpu.memory_space<vmem_shared>>) target_semaphore(%run_scoped3A_67 : memref<!tpu.dma_semaphore, #tpu.memory_space<semaphore_mem>>)
      %dma_wait3A = arith.constant 0 : i32
      %dma_wait3A_80 = arith.constant 0 : i32
      %dma_wait3A_81 = tpu.memref_slice %arg11[%run_scoped3A_23, %dma_wait3A, %dma_wait3A_80] : memref<4x128x32xf32, #tpu.memory_space<vmem>> -> memref<1x120x32xf32, #tpu.memory_space<vmem>>
      %dma_wait3A_82 = tpu.memref_squeeze %dma_wait3A_81 : memref<1x120x32xf32, #tpu.memory_space<vmem>> -> memref<120x32xf32, #tpu.memory_space<vmem>>
      %dma_wait3A_83 = arith.constant 0 : i32
      %dma_wait3A_84 = tpu.memref_slice %arg14[%add3A_22, %dma_wait3A_83] : memref<10112x32xf32, #tpu.memory_space<vmem_shared>> -> memref<120x32xf32, #tpu.memory_space<vmem_shared>>
      %dma_wait3A_85 = arith.constant 0 : i32
      %dma_wait3A_86 = tpu.memref_slice %arg14[%add3A_22, %dma_wait3A_85] : memref<10112x32xf32, #tpu.memory_space<vmem_shared>> -> memref<120x32xf32, #tpu.memory_space<vmem_shared>>
      %dma_wait3A_87 = arith.constant 0 : i32
      %dma_wait3A_88 = arith.constant 0 : i32
      %dma_wait3A_89 = tpu.memref_slice %arg11[%run_scoped3A_23, %dma_wait3A_87, %dma_wait3A_88] : memref<4x128x32xf32, #tpu.memory_space<vmem>> -> memref<1x120x32xf32, #tpu.memory_space<vmem>>
      %dma_wait3A_90 = tpu.memref_squeeze %dma_wait3A_89 : memref<1x120x32xf32, #tpu.memory_space<vmem>> -> memref<120x32xf32, #tpu.memory_space<vmem>>
      tpu.wait_dma2 semaphore(%run_scoped3A_67 : memref<!tpu.dma_semaphore, #tpu.memory_space<semaphore_mem>>) src(%dma_wait3A_90 : memref<120x32xf32, #tpu.memory_space<vmem>>) dst(%dma_wait3A_86 : memref<120x32xf32, #tpu.memory_space<vmem_shared>>)
      tpu.yield
    }) : () -> ()
    "tpu.region"() ({
      %run_scoped3A_67 = tpu.sem_alloc : memref<!tpu.dma_semaphore, #tpu.memory_space<semaphore_mem>>
      %dma_start3A_68 = arith.constant 0 : i32
      %dma_start3A_69 = arith.constant 0 : i32
      %dma_start3A_70 = tpu.memref_slice %arg3[%add3A, %dma_start3A_68, %dma_start3A_69] : memref<32x80x128xi32, #tpu.memory_space<hbm>> -> memref<1x80x128xi32, #tpu.memory_space<hbm>>
      %dma_start3A_71 = tpu.memref_squeeze %dma_start3A_70 : memref<1x80x128xi32, #tpu.memory_space<hbm>> -> memref<80x128xi32, #tpu.memory_space<hbm>>
      %dma_start3A_72 = arith.constant 0 : i32
      %dma_start3A_73 = arith.constant 0 : i32
      %dma_start3A_74 = tpu.memref_slice %arg3[%add3A, %dma_start3A_72, %dma_start3A_73] : memref<32x80x128xi32, #tpu.memory_space<hbm>> -> memref<1x80x128xi32, #tpu.memory_space<hbm>>
      %dma_start3A_75 = tpu.memref_squeeze %dma_start3A_74 : memref<1x80x128xi32, #tpu.memory_space<hbm>> -> memref<80x128xi32, #tpu.memory_space<hbm>>
      tpu.enqueue_dma source(%dma_start3A_75 : memref<80x128xi32, #tpu.memory_space<hbm>>) target(%arg9 : memref<80x128xi32, #tpu.memory_space<vmem>>) target_semaphore(%run_scoped3A_67 : memref<!tpu.dma_semaphore, #tpu.memory_space<semaphore_mem>>)
      %dma_wait3A = arith.constant 0 : i32
      %dma_wait3A_76 = arith.constant 0 : i32
      %dma_wait3A_77 = tpu.memref_slice %arg3[%add3A, %dma_wait3A, %dma_wait3A_76] : memref<32x80x128xi32, #tpu.memory_space<hbm>> -> memref<1x80x128xi32, #tpu.memory_space<hbm>>
      %dma_wait3A_78 = tpu.memref_squeeze %dma_wait3A_77 : memref<1x80x128xi32, #tpu.memory_space<hbm>> -> memref<80x128xi32, #tpu.memory_space<hbm>>
      %dma_wait3A_79 = arith.constant 0 : i32
      %dma_wait3A_80 = arith.constant 0 : i32
      %dma_wait3A_81 = tpu.memref_slice %arg3[%add3A, %dma_wait3A_79, %dma_wait3A_80] : memref<32x80x128xi32, #tpu.memory_space<hbm>> -> memref<1x80x128xi32, #tpu.memory_space<hbm>>
      %dma_wait3A_82 = tpu.memref_squeeze %dma_wait3A_81 : memref<1x80x128xi32, #tpu.memory_space<hbm>> -> memref<80x128xi32, #tpu.memory_space<hbm>>
      tpu.wait_dma2 semaphore(%run_scoped3A_67 : memref<!tpu.dma_semaphore, #tpu.memory_space<semaphore_mem>>) src(%dma_wait3A_82 : memref<80x128xi32, #tpu.memory_space<hbm>>) dst(%arg9 : memref<80x128xi32, #tpu.memory_space<vmem>>)
      tpu.yield
    }) : () -> ()
    "tpu.region"() ({
      %run_scoped3A_67 = tpu.sem_alloc : memref<!tpu.dma_semaphore, #tpu.memory_space<semaphore_mem>>
      %dma_start3A_68 = arith.constant 0 : i32
      %dma_start3A_69 = arith.constant 0 : i32
      %dma_start3A_70 = tpu.memref_slice %arg4[%add3A, %dma_start3A_68, %dma_start3A_69] : memref<32x80x128xi32, #tpu.memory_space<hbm>> -> memref<1x80x128xi32, #tpu.memory_space<hbm>>
      %dma_start3A_71 = tpu.memref_squeeze %dma_start3A_70 : memref<1x80x128xi32, #tpu.memory_space<hbm>> -> memref<80x128xi32, #tpu.memory_space<hbm>>
      %dma_start3A_72 = arith.constant 0 : i32
      %dma_start3A_73 = arith.constant 0 : i32
      %dma_start3A_74 = tpu.memref_slice %arg4[%add3A, %dma_start3A_72, %dma_start3A_73] : memref<32x80x128xi32, #tpu.memory_space<hbm>> -> memref<1x80x128xi32, #tpu.memory_space<hbm>>
      %dma_start3A_75 = tpu.memref_squeeze %dma_start3A_74 : memref<1x80x128xi32, #tpu.memory_space<hbm>> -> memref<80x128xi32, #tpu.memory_space<hbm>>
      tpu.enqueue_dma source(%dma_start3A_75 : memref<80x128xi32, #tpu.memory_space<hbm>>) target(%arg10 : memref<80x128xi32, #tpu.memory_space<vmem>>) target_semaphore(%run_scoped3A_67 : memref<!tpu.dma_semaphore, #tpu.memory_space<semaphore_mem>>)
      %dma_wait3A = arith.constant 0 : i32
      %dma_wait3A_76 = arith.constant 0 : i32
      %dma_wait3A_77 = tpu.memref_slice %arg4[%add3A, %dma_wait3A, %dma_wait3A_76] : memref<32x80x128xi32, #tpu.memory_space<hbm>> -> memref<1x80x128xi32, #tpu.memory_space<hbm>>
      %dma_wait3A_78 = tpu.memref_squeeze %dma_wait3A_77 : memref<1x80x128xi32, #tpu.memory_space<hbm>> -> memref<80x128xi32, #tpu.memory_space<hbm>>
      %dma_wait3A_79 = arith.constant 0 : i32
      %dma_wait3A_80 = arith.constant 0 : i32
      %dma_wait3A_81 = tpu.memref_slice %arg4[%add3A, %dma_wait3A_79, %dma_wait3A_80] : memref<32x80x128xi32, #tpu.memory_space<hbm>> -> memref<1x80x128xi32, #tpu.memory_space<hbm>>
      %dma_wait3A_82 = tpu.memref_squeeze %dma_wait3A_81 : memref<1x80x128xi32, #tpu.memory_space<hbm>> -> memref<80x128xi32, #tpu.memory_space<hbm>>
      tpu.wait_dma2 semaphore(%run_scoped3A_67 : memref<!tpu.dma_semaphore, #tpu.memory_space<semaphore_mem>>) src(%dma_wait3A_82 : memref<80x128xi32, #tpu.memory_space<hbm>>) dst(%arg10 : memref<80x128xi32, #tpu.memory_space<vmem>>)
      tpu.yield
    }) : () -> ()
    "tpu.region"() ({
      %run_scoped3A_67 = tpu.sem_alloc : memref<!tpu.dma_semaphore, #tpu.memory_space<semaphore_mem>>
      %dma_start3A_68 = arith.constant 0 : i32
      %dma_start3A_69 = tpu.memref_slice %arg13[%mul3A_9, %dma_start3A_68] : memref<10112x32xf32, #tpu.memory_space<vmem_shared>> -> memref<632x32xf32, #tpu.memory_space<vmem_shared>>
      %dma_start3A_70 = arith.constant 0 : i32
      %dma_start3A_71 = tpu.memref_slice %arg2[%mul3A_9, %dma_start3A_70] : memref<10112x32xf32, #tpu.memory_space<hbm>> -> memref<632x32xf32, #tpu.memory_space<hbm>>
      tpu.enqueue_dma source(%dma_start3A_71 : memref<632x32xf32, #tpu.memory_space<hbm>>) target(%dma_start3A_69 : memref<632x32xf32, #tpu.memory_space<vmem_shared>>) target_semaphore(%run_scoped3A_67 : memref<!tpu.dma_semaphore, #tpu.memory_space<semaphore_mem>>)
      %dma_wait3A = arith.constant 0 : i32
      %dma_wait3A_72 = tpu.memref_slice %arg13[%mul3A_9, %dma_wait3A] : memref<10112x32xf32, #tpu.memory_space<vmem_shared>> -> memref<632x32xf32, #tpu.memory_space<vmem_shared>>
      %dma_wait3A_73 = arith.constant 0 : i32
      %dma_wait3A_74 = tpu.memref_slice %arg2[%mul3A_9, %dma_wait3A_73] : memref<10112x32xf32, #tpu.memory_space<hbm>> -> memref<632x32xf32, #tpu.memory_space<hbm>>
      tpu.wait_dma2 semaphore(%run_scoped3A_67 : memref<!tpu.dma_semaphore, #tpu.memory_space<semaphore_mem>>) src(%dma_wait3A_74 : memref<632x32xf32, #tpu.memory_space<hbm>>) dst(%dma_wait3A_72 : memref<632x32xf32, #tpu.memory_space<vmem_shared>>)
      tpu.yield
    }) : () -> ()
    %barrier3A = arith.constant 0 : index
    tpu.barrier barrier_id(%barrier3A)
    %dma_start3A = arith.constant 0 : i32
    %dma_start3A_24 = arith.constant 0 : i32
    %dma_start3A_25 = arith.constant 0 : i32
    %dma_start3A_26 = arith.constant 0 : i32
    %dma_start3A_27 = tpu.memref_slice %arg11[%dma_start3A_24, %dma_start3A_25, %dma_start3A_26] : memref<4x128x32xf32, #tpu.memory_space<vmem>> -> memref<1x128x32xf32, #tpu.memory_space<vmem>>
    %dma_start3A_28 = tpu.memref_squeeze %dma_start3A_27 : memref<1x128x32xf32, #tpu.memory_space<vmem>> -> memref<128x32xf32, #tpu.memory_space<vmem>>
    %dma_start3A_29 = arith.constant 0 : i32
    %dma_start3A_30 = tpu.memref_slice %arg9[%dma_start3A, %dma_start3A_29] : memref<80x128xi32, #tpu.memory_space<vmem>> -> memref<1x128xi32, #tpu.memory_space<vmem>>
    %dma_start3A_31 = tpu.memref_squeeze %dma_start3A_30 : memref<1x128xi32, #tpu.memory_space<vmem>> -> memref<128xi32, #tpu.memory_space<vmem>>
    %dma_start3A_32 = arith.constant 0 : i32
    %dma_start3A_33 = arith.constant 0 : i32
    %dma_start3A_34 = tpu.memref_slice %arg13[%dma_start3A_32, %dma_start3A_33] : memref<10112x32xf32, #tpu.memory_space<vmem_shared>> -> memref<10112x32xf32, #tpu.memory_space<vmem_shared>>
    tpu.enqueue_indirect_dma source(%dma_start3A_34 : memref<10112x32xf32, #tpu.memory_space<vmem_shared>>) target(%dma_start3A_28 : memref<128x32xf32, #tpu.memory_space<vmem>>) offsets(%dma_start3A_31 : memref<128xi32, #tpu.memory_space<vmem>>) semaphore(%arg16 : memref<!tpu.dma_semaphore, #tpu.memory_space<semaphore_mem>>)
    %dma_start3A_35 = arith.constant 1 : i32
    %dma_start3A_36 = arith.constant 1 : i32
    %dma_start3A_37 = arith.constant 0 : i32
    %dma_start3A_38 = arith.constant 0 : i32
    %dma_start3A_39 = tpu.memref_slice %arg11[%dma_start3A_36, %dma_start3A_37, %dma_start3A_38] : memref<4x128x32xf32, #tpu.memory_space<vmem>> -> memref<1x128x32xf32, #tpu.memory_space<vmem>>
    %dma_start3A_40 = tpu.memref_squeeze %dma_start3A_39 : memref<1x128x32xf32, #tpu.memory_space<vmem>> -> memref<128x32xf32, #tpu.memory_space<vmem>>
    %dma_start3A_41 = arith.constant 0 : i32
    %dma_start3A_42 = tpu.memref_slice %arg9[%dma_start3A_35, %dma_start3A_41] : memref<80x128xi32, #tpu.memory_space<vmem>> -> memref<1x128xi32, #tpu.memory_space<vmem>>
    %dma_start3A_43 = tpu.memref_squeeze %dma_start3A_42 : memref<1x128xi32, #tpu.memory_space<vmem>> -> memref<128xi32, #tpu.memory_space<vmem>>
    %dma_start3A_44 = arith.constant 0 : i32
    %dma_start3A_45 = arith.constant 0 : i32
    %dma_start3A_46 = tpu.memref_slice %arg13[%dma_start3A_44, %dma_start3A_45] : memref<10112x32xf32, #tpu.memory_space<vmem_shared>> -> memref<10112x32xf32, #tpu.memory_space<vmem_shared>>
    tpu.enqueue_indirect_dma source(%dma_start3A_46 : memref<10112x32xf32, #tpu.memory_space<vmem_shared>>) target(%dma_start3A_40 : memref<128x32xf32, #tpu.memory_space<vmem>>) offsets(%dma_start3A_43 : memref<128xi32, #tpu.memory_space<vmem>>) semaphore(%arg17 : memref<!tpu.dma_semaphore, #tpu.memory_space<semaphore_mem>>)
    %dma_start3A_47 = arith.constant 2 : i32
    %dma_start3A_48 = arith.constant 2 : i32
    %dma_start3A_49 = arith.constant 0 : i32
    %dma_start3A_50 = arith.constant 0 : i32
    %dma_start3A_51 = tpu.memref_slice %arg11[%dma_start3A_48, %dma_start3A_49, %dma_start3A_50] : memref<4x128x32xf32, #tpu.memory_space<vmem>> -> memref<1x128x32xf32, #tpu.memory_space<vmem>>
    %dma_start3A_52 = tpu.memref_squeeze %dma_start3A_51 : memref<1x128x32xf32, #tpu.memory_space<vmem>> -> memref<128x32xf32, #tpu.memory_space<vmem>>
    %dma_start3A_53 = arith.constant 0 : i32
    %dma_start3A_54 = tpu.memref_slice %arg9[%dma_start3A_47, %dma_start3A_53] : memref<80x128xi32, #tpu.memory_space<vmem>> -> memref<1x128xi32, #tpu.memory_space<vmem>>
    %dma_start3A_55 = tpu.memref_squeeze %dma_start3A_54 : memref<1x128xi32, #tpu.memory_space<vmem>> -> memref<128xi32, #tpu.memory_space<vmem>>
    %dma_start3A_56 = arith.constant 0 : i32
    %dma_start3A_57 = arith.constant 0 : i32
    %dma_start3A_58 = tpu.memref_slice %arg13[%dma_start3A_56, %dma_start3A_57] : memref<10112x32xf32, #tpu.memory_space<vmem_shared>> -> memref<10112x32xf32, #tpu.memory_space<vmem_shared>>
    tpu.enqueue_indirect_dma source(%dma_start3A_58 : memref<10112x32xf32, #tpu.memory_space<vmem_shared>>) target(%dma_start3A_52 : memref<128x32xf32, #tpu.memory_space<vmem>>) offsets(%dma_start3A_55 : memref<128xi32, #tpu.memory_space<vmem>>) semaphore(%arg18 : memref<!tpu.dma_semaphore, #tpu.memory_space<semaphore_mem>>)
    %scan3A_59 = arith.constant 0 : i32
    %scan3A_60 = arith.constant 0 : i32
    %scan3A_61 = arith.constant 20 : i32
    %scan3A_62 = arith.addi %scan3A_60, %scan3A_61 : i32
    %scan3A_63 = arith.constant 1 : i32
    %scan3A_64 = scf.for %scan3A_67 = %scan3A_60 to %scan3A_62 step %scan3A_63 iter_args(%scan3A_68 = %scan3A_59) -> (i32)  : i32 {
      %mul3A_69 = arith.constant 4 : i32
      %mul3A_70 = arith.muli %mul3A_69, %scan3A_67 : i32
      %add3A_71 = arith.constant 0 : i32
      %add3A_72 = arith.addi %mul3A_70, %add3A_71 : i32
      %dma_wait3A = arith.constant 0 : i32
      %dma_wait3A_73 = arith.constant 0 : i32
      %dma_wait3A_74 = arith.constant 0 : i32
      %dma_wait3A_75 = tpu.memref_slice %arg11[%dma_wait3A, %dma_wait3A_73, %dma_wait3A_74] : memref<4x128x32xf32, #tpu.memory_space<vmem>> -> memref<1x128x32xf32, #tpu.memory_space<vmem>>
      %dma_wait3A_76 = tpu.memref_squeeze %dma_wait3A_75 : memref<1x128x32xf32, #tpu.memory_space<vmem>> -> memref<128x32xf32, #tpu.memory_space<vmem>>
      %dma_wait3A_77 = arith.constant 0 : i32
      %dma_wait3A_78 = tpu.memref_slice %arg9[%add3A_72, %dma_wait3A_77] : memref<80x128xi32, #tpu.memory_space<vmem>> -> memref<1x128xi32, #tpu.memory_space<vmem>>
      %dma_wait3A_79 = tpu.memref_squeeze %dma_wait3A_78 : memref<1x128xi32, #tpu.memory_space<vmem>> -> memref<128xi32, #tpu.memory_space<vmem>>
      %dma_wait3A_80 = arith.constant 0 : i32
      %dma_wait3A_81 = arith.constant 0 : i32
      %dma_wait3A_82 = tpu.memref_slice %arg13[%dma_wait3A_80, %dma_wait3A_81] : memref<10112x32xf32, #tpu.memory_space<vmem_shared>> -> memref<10112x32xf32, #tpu.memory_space<vmem_shared>>
      tpu.wait_indirect_dma semaphore(%arg16 : memref<!tpu.dma_semaphore, #tpu.memory_space<semaphore_mem>>) src(%dma_wait3A_82 : memref<10112x32xf32, #tpu.memory_space<vmem_shared>>) dst(%dma_wait3A_76 : memref<128x32xf32, #tpu.memory_space<vmem>>)
      %add3A_83 = arith.constant 4 : i32
      %add3A_84 = arith.addi %add3A_72, %add3A_83 : i32
      %sub3A = arith.constant 1 : i32
      %sub3A_85 = arith.subi %add3A_84, %sub3A : i32
      %lt3A = arith.constant 80 : i32
      %lt3A_86 = arith.cmpi slt, %sub3A_85, %lt3A : i32
      %convert_element_type3A = arith.extui %lt3A_86 : i1 to i32
      %cond3A = arith.constant 0 : i32
      %cond3A_87 = arith.cmpi ne, %convert_element_type3A, %cond3A : i32
      scf.if %cond3A_87 {
        %add3A_165 = arith.constant 4 : i32
        %add3A_166 = arith.addi %add3A_72, %add3A_165 : i32
        %sub3A_167 = arith.constant 1 : i32
        %sub3A_168 = arith.subi %add3A_166, %sub3A_167 : i32
        %dma_start3A_169 = arith.constant 3 : i32
        %dma_start3A_170 = arith.constant 0 : i32
        %dma_start3A_171 = arith.constant 0 : i32
        %dma_start3A_172 = tpu.memref_slice %arg11[%dma_start3A_169, %dma_start3A_170, %dma_start3A_171] : memref<4x128x32xf32, #tpu.memory_space<vmem>> -> memref<1x128x32xf32, #tpu.memory_space<vmem>>
        %dma_start3A_173 = tpu.memref_squeeze %dma_start3A_172 : memref<1x128x32xf32, #tpu.memory_space<vmem>> -> memref<128x32xf32, #tpu.memory_space<vmem>>
        %dma_start3A_174 = arith.constant 0 : i32
        %dma_start3A_175 = tpu.memref_slice %arg9[%sub3A_168, %dma_start3A_174] : memref<80x128xi32, #tpu.memory_space<vmem>> -> memref<1x128xi32, #tpu.memory_space<vmem>>
        %dma_start3A_176 = tpu.memref_squeeze %dma_start3A_175 : memref<1x128xi32, #tpu.memory_space<vmem>> -> memref<128xi32, #tpu.memory_space<vmem>>
        %dma_start3A_177 = arith.constant 0 : i32
        %dma_start3A_178 = arith.constant 0 : i32
        %dma_start3A_179 = tpu.memref_slice %arg13[%dma_start3A_177, %dma_start3A_178] : memref<10112x32xf32, #tpu.memory_space<vmem_shared>> -> memref<10112x32xf32, #tpu.memory_space<vmem_shared>>
        tpu.enqueue_indirect_dma source(%dma_start3A_179 : memref<10112x32xf32, #tpu.memory_space<vmem_shared>>) target(%dma_start3A_173 : memref<128x32xf32, #tpu.memory_space<vmem>>) offsets(%dma_start3A_176 : memref<128xi32, #tpu.memory_space<vmem>>) semaphore(%arg19 : memref<!tpu.dma_semaphore, #tpu.memory_space<semaphore_mem>>)
      } else {
      }
      %run_scoped3A_88 = arith.constant 0 : i32
      "tpu.region"() ({
        %run_scoped3A_165 = tpu.sem_alloc : memref<!tpu.dma_semaphore, #tpu.memory_space<semaphore_mem>>
        %dma_start3A_166 = arith.constant 0 : i32
        %dma_start3A_167 = arith.constant 0 : i32
        %dma_start3A_168 = tpu.memref_slice %arg11[%run_scoped3A_88, %dma_start3A_166, %dma_start3A_167] : memref<4x128x32xf32, #tpu.memory_space<vmem>> -> memref<1x128x32xf32, #tpu.memory_space<vmem>>
        %dma_start3A_169 = tpu.memref_squeeze %dma_start3A_168 : memref<1x128x32xf32, #tpu.memory_space<vmem>> -> memref<128x32xf32, #tpu.memory_space<vmem>>
        %dma_start3A_170 = arith.constant 0 : i32
        %dma_start3A_171 = tpu.memref_slice %arg10[%add3A_72, %dma_start3A_170] : memref<80x128xi32, #tpu.memory_space<vmem>> -> memref<1x128xi32, #tpu.memory_space<vmem>>
        %dma_start3A_172 = tpu.memref_squeeze %dma_start3A_171 : memref<1x128xi32, #tpu.memory_space<vmem>> -> memref<128xi32, #tpu.memory_space<vmem>>
        %dma_start3A_173 = arith.constant 0 : i32
        %dma_start3A_174 = arith.constant 0 : i32
        %dma_start3A_175 = tpu.memref_slice %arg14[%dma_start3A_173, %dma_start3A_174] : memref<10112x32xf32, #tpu.memory_space<vmem_shared>> -> memref<10112x32xf32, #tpu.memory_space<vmem_shared>>
        tpu.enqueue_indirect_dma source(%dma_start3A_169 : memref<128x32xf32, #tpu.memory_space<vmem>>) target(%dma_start3A_175 : memref<10112x32xf32, #tpu.memory_space<vmem_shared>>) offsets(%dma_start3A_172 : memref<128xi32, #tpu.memory_space<vmem>>) semaphore(%run_scoped3A_165 : memref<!tpu.dma_semaphore, #tpu.memory_space<semaphore_mem>>) {add = true}
        %dma_wait3A_176 = arith.constant 0 : i32
        %dma_wait3A_177 = arith.constant 0 : i32
        %dma_wait3A_178 = tpu.memref_slice %arg11[%run_scoped3A_88, %dma_wait3A_176, %dma_wait3A_177] : memref<4x128x32xf32, #tpu.memory_space<vmem>> -> memref<1x128x32xf32, #tpu.memory_space<vmem>>
        %dma_wait3A_179 = tpu.memref_squeeze %dma_wait3A_178 : memref<1x128x32xf32, #tpu.memory_space<vmem>> -> memref<128x32xf32, #tpu.memory_space<vmem>>
        %dma_wait3A_180 = arith.constant 0 : i32
        %dma_wait3A_181 = tpu.memref_slice %arg10[%add3A_72, %dma_wait3A_180] : memref<80x128xi32, #tpu.memory_space<vmem>> -> memref<1x128xi32, #tpu.memory_space<vmem>>
        %dma_wait3A_182 = tpu.memref_squeeze %dma_wait3A_181 : memref<1x128xi32, #tpu.memory_space<vmem>> -> memref<128xi32, #tpu.memory_space<vmem>>
        %dma_wait3A_183 = arith.constant 0 : i32
        %dma_wait3A_184 = arith.constant 0 : i32
        %dma_wait3A_185 = tpu.memref_slice %arg14[%dma_wait3A_183, %dma_wait3A_184] : memref<10112x32xf32, #tpu.memory_space<vmem_shared>> -> memref<10112x32xf32, #tpu.memory_space<vmem_shared>>
        tpu.wait_indirect_dma semaphore(%run_scoped3A_165 : memref<!tpu.dma_semaphore, #tpu.memory_space<semaphore_mem>>) src(%dma_wait3A_179 : memref<128x32xf32, #tpu.memory_space<vmem>>) dst(%dma_wait3A_185 : memref<10112x32xf32, #tpu.memory_space<vmem_shared>>)
        tpu.yield
      }) : () -> ()
      "tpu.region"() ({
        %run_scoped3A_165 = tpu.sem_alloc : memref<!tpu.dma_semaphore, #tpu.memory_space<semaphore_mem>>
        %dma_start3A_166 = arith.constant 0 : i32
        %dma_start3A_167 = tpu.memref_slice %arg10[%add3A_72, %dma_start3A_166] : memref<80x128xi32, #tpu.memory_space<vmem>> -> memref<1x128xi32, #tpu.memory_space<vmem>>
        %dma_start3A_168 = tpu.memref_squeeze %dma_start3A_167 : memref<1x128xi32, #tpu.memory_space<vmem>> -> memref<128xi32, #tpu.memory_space<vmem>>
        %dma_start3A_169 = arith.constant 0 : i32
        %dma_start3A_170 = arith.constant 0 : i32
        %dma_start3A_171 = tpu.memref_slice %arg15[%dma_start3A_169, %dma_start3A_170] : memref<10112x16xi16, #tpu.memory_space<vmem_shared>> -> memref<10112x16xi16, #tpu.memory_space<vmem_shared>>
        tpu.enqueue_indirect_dma source(%arg12 : memref<128x16xi16, #tpu.memory_space<vmem>>) target(%dma_start3A_171 : memref<10112x16xi16, #tpu.memory_space<vmem_shared>>) offsets(%dma_start3A_168 : memref<128xi32, #tpu.memory_space<vmem>>) semaphore(%run_scoped3A_165 : memref<!tpu.dma_semaphore, #tpu.memory_space<semaphore_mem>>) {add = true}
        %dma_wait3A_172 = arith.constant 0 : i32
        %dma_wait3A_173 = tpu.memref_slice %arg10[%add3A_72, %dma_wait3A_172] : memref<80x128xi32, #tpu.memory_space<vmem>> -> memref<1x128xi32, #tpu.memory_space<vmem>>
        %dma_wait3A_174 = tpu.memref_squeeze %dma_wait3A_173 : memref<1x128xi32, #tpu.memory_space<vmem>> -> memref<128xi32, #tpu.memory_space<vmem>>
        %dma_wait3A_175 = arith.constant 0 : i32
        %dma_wait3A_176 = arith.constant 0 : i32
        %dma_wait3A_177 = tpu.memref_slice %arg15[%dma_wait3A_175, %dma_wait3A_176] : memref<10112x16xi16, #tpu.memory_space<vmem_shared>> -> memref<10112x16xi16, #tpu.memory_space<vmem_shared>>
        tpu.wait_indirect_dma semaphore(%run_scoped3A_165 : memref<!tpu.dma_semaphore, #tpu.memory_space<semaphore_mem>>) src(%arg12 : memref<128x16xi16, #tpu.memory_space<vmem>>) dst(%dma_wait3A_177 : memref<10112x16xi16, #tpu.memory_space<vmem_shared>>)
        tpu.yield
      }) : () -> ()
      %mul3A_89 = arith.constant 4 : i32
      %mul3A_90 = arith.muli %mul3A_89, %scan3A_67 : i32
      %add3A_91 = arith.constant 1 : i32
      %add3A_92 = arith.addi %mul3A_90, %add3A_91 : i32
      %dma_wait3A_93 = arith.constant 1 : i32
      %dma_wait3A_94 = arith.constant 0 : i32
      %dma_wait3A_95 = arith.constant 0 : i32
      %dma_wait3A_96 = tpu.memref_slice %arg11[%dma_wait3A_93, %dma_wait3A_94, %dma_wait3A_95] : memref<4x128x32xf32, #tpu.memory_space<vmem>> -> memref<1x128x32xf32, #tpu.memory_space<vmem>>
      %dma_wait3A_97 = tpu.memref_squeeze %dma_wait3A_96 : memref<1x128x32xf32, #tpu.memory_space<vmem>> -> memref<128x32xf32, #tpu.memory_space<vmem>>
      %dma_wait3A_98 = arith.constant 0 : i32
      %dma_wait3A_99 = tpu.memref_slice %arg9[%add3A_92, %dma_wait3A_98] : memref<80x128xi32, #tpu.memory_space<vmem>> -> memref<1x128xi32, #tpu.memory_space<vmem>>
      %dma_wait3A_100 = tpu.memref_squeeze %dma_wait3A_99 : memref<1x128xi32, #tpu.memory_space<vmem>> -> memref<128xi32, #tpu.memory_space<vmem>>
      %dma_wait3A_101 = arith.constant 0 : i32
      %dma_wait3A_102 = arith.constant 0 : i32
      %dma_wait3A_103 = tpu.memref_slice %arg13[%dma_wait3A_101, %dma_wait3A_102] : memref<10112x32xf32, #tpu.memory_space<vmem_shared>> -> memref<10112x32xf32, #tpu.memory_space<vmem_shared>>
      tpu.wait_indirect_dma semaphore(%arg17 : memref<!tpu.dma_semaphore, #tpu.memory_space<semaphore_mem>>) src(%dma_wait3A_103 : memref<10112x32xf32, #tpu.memory_space<vmem_shared>>) dst(%dma_wait3A_97 : memref<128x32xf32, #tpu.memory_space<vmem>>)
      %add3A_104 = arith.constant 4 : i32
      %add3A_105 = arith.addi %add3A_92, %add3A_104 : i32
      %sub3A_106 = arith.constant 1 : i32
      %sub3A_107 = arith.subi %add3A_105, %sub3A_106 : i32
      %lt3A_108 = arith.constant 80 : i32
      %lt3A_109 = arith.cmpi slt, %sub3A_107, %lt3A_108 : i32
      %convert_element_type3A_110 = arith.extui %lt3A_109 : i1 to i32
      %cond3A_111 = arith.constant 0 : i32
      %cond3A_112 = arith.cmpi ne, %convert_element_type3A_110, %cond3A_111 : i32
      scf.if %cond3A_112 {
        %add3A_165 = arith.constant 4 : i32
        %add3A_166 = arith.addi %add3A_92, %add3A_165 : i32
        %sub3A_167 = arith.constant 1 : i32
        %sub3A_168 = arith.subi %add3A_166, %sub3A_167 : i32
        %dma_start3A_169 = arith.constant 0 : i32
        %dma_start3A_170 = arith.constant 0 : i32
        %dma_start3A_171 = arith.constant 0 : i32
        %dma_start3A_172 = tpu.memref_slice %arg11[%dma_start3A_169, %dma_start3A_170, %dma_start3A_171] : memref<4x128x32xf32, #tpu.memory_space<vmem>> -> memref<1x128x32xf32, #tpu.memory_space<vmem>>
        %dma_start3A_173 = tpu.memref_squeeze %dma_start3A_172 : memref<1x128x32xf32, #tpu.memory_space<vmem>> -> memref<128x32xf32, #tpu.memory_space<vmem>>
        %dma_start3A_174 = arith.constant 0 : i32
        %dma_start3A_175 = tpu.memref_slice %arg9[%sub3A_168, %dma_start3A_174] : memref<80x128xi32, #tpu.memory_space<vmem>> -> memref<1x128xi32, #tpu.memory_space<vmem>>
        %dma_start3A_176 = tpu.memref_squeeze %dma_start3A_175 : memref<1x128xi32, #tpu.memory_space<vmem>> -> memref<128xi32, #tpu.memory_space<vmem>>
        %dma_start3A_177 = arith.constant 0 : i32
        %dma_start3A_178 = arith.constant 0 : i32
        %dma_start3A_179 = tpu.memref_slice %arg13[%dma_start3A_177, %dma_start3A_178] : memref<10112x32xf32, #tpu.memory_space<vmem_shared>> -> memref<10112x32xf32, #tpu.memory_space<vmem_shared>>
        tpu.enqueue_indirect_dma source(%dma_start3A_179 : memref<10112x32xf32, #tpu.memory_space<vmem_shared>>) target(%dma_start3A_173 : memref<128x32xf32, #tpu.memory_space<vmem>>) offsets(%dma_start3A_176 : memref<128xi32, #tpu.memory_space<vmem>>) semaphore(%arg16 : memref<!tpu.dma_semaphore, #tpu.memory_space<semaphore_mem>>)
      } else {
      }
      %run_scoped3A_113 = arith.constant 1 : i32
      "tpu.region"() ({
        %run_scoped3A_165 = tpu.sem_alloc : memref<!tpu.dma_semaphore, #tpu.memory_space<semaphore_mem>>
        %dma_start3A_166 = arith.constant 0 : i32
        %dma_start3A_167 = arith.constant 0 : i32
        %dma_start3A_168 = tpu.memref_slice %arg11[%run_scoped3A_113, %dma_start3A_166, %dma_start3A_167] : memref<4x128x32xf32, #tpu.memory_space<vmem>> -> memref<1x128x32xf32, #tpu.memory_space<vmem>>
        %dma_start3A_169 = tpu.memref_squeeze %dma_start3A_168 : memref<1x128x32xf32, #tpu.memory_space<vmem>> -> memref<128x32xf32, #tpu.memory_space<vmem>>
        %dma_start3A_170 = arith.constant 0 : i32
        %dma_start3A_171 = tpu.memref_slice %arg10[%add3A_92, %dma_start3A_170] : memref<80x128xi32, #tpu.memory_space<vmem>> -> memref<1x128xi32, #tpu.memory_space<vmem>>
        %dma_start3A_172 = tpu.memref_squeeze %dma_start3A_171 : memref<1x128xi32, #tpu.memory_space<vmem>> -> memref<128xi32, #tpu.memory_space<vmem>>
        %dma_start3A_173 = arith.constant 0 : i32
        %dma_start3A_174 = arith.constant 0 : i32
        %dma_start3A_175 = tpu.memref_slice %arg14[%dma_start3A_173, %dma_start3A_174] : memref<10112x32xf32, #tpu.memory_space<vmem_shared>> -> memref<10112x32xf32, #tpu.memory_space<vmem_shared>>
        tpu.enqueue_indirect_dma source(%dma_start3A_169 : memref<128x32xf32, #tpu.memory_space<vmem>>) target(%dma_start3A_175 : memref<10112x32xf32, #tpu.memory_space<vmem_shared>>) offsets(%dma_start3A_172 : memref<128xi32, #tpu.memory_space<vmem>>) semaphore(%run_scoped3A_165 : memref<!tpu.dma_semaphore, #tpu.memory_space<semaphore_mem>>) {add = true}
        %dma_wait3A_176 = arith.constant 0 : i32
        %dma_wait3A_177 = arith.constant 0 : i32
        %dma_wait3A_178 = tpu.memref_slice %arg11[%run_scoped3A_113, %dma_wait3A_176, %dma_wait3A_177] : memref<4x128x32xf32, #tpu.memory_space<vmem>> -> memref<1x128x32xf32, #tpu.memory_space<vmem>>
        %dma_wait3A_179 = tpu.memref_squeeze %dma_wait3A_178 : memref<1x128x32xf32, #tpu.memory_space<vmem>> -> memref<128x32xf32, #tpu.memory_space<vmem>>
        %dma_wait3A_180 = arith.constant 0 : i32
        %dma_wait3A_181 = tpu.memref_slice %arg10[%add3A_92, %dma_wait3A_180] : memref<80x128xi32, #tpu.memory_space<vmem>> -> memref<1x128xi32, #tpu.memory_space<vmem>>
        %dma_wait3A_182 = tpu.memref_squeeze %dma_wait3A_181 : memref<1x128xi32, #tpu.memory_space<vmem>> -> memref<128xi32, #tpu.memory_space<vmem>>
        %dma_wait3A_183 = arith.constant 0 : i32
        %dma_wait3A_184 = arith.constant 0 : i32
        %dma_wait3A_185 = tpu.memref_slice %arg14[%dma_wait3A_183, %dma_wait3A_184] : memref<10112x32xf32, #tpu.memory_space<vmem_shared>> -> memref<10112x32xf32, #tpu.memory_space<vmem_shared>>
        tpu.wait_indirect_dma semaphore(%run_scoped3A_165 : memref<!tpu.dma_semaphore, #tpu.memory_space<semaphore_mem>>) src(%dma_wait3A_179 : memref<128x32xf32, #tpu.memory_space<vmem>>) dst(%dma_wait3A_185 : memref<10112x32xf32, #tpu.memory_space<vmem_shared>>)
        tpu.yield
      }) : () -> ()
      "tpu.region"() ({
        %run_scoped3A_165 = tpu.sem_alloc : memref<!tpu.dma_semaphore, #tpu.memory_space<semaphore_mem>>
        %dma_start3A_166 = arith.constant 0 : i32
        %dma_start3A_167 = tpu.memref_slice %arg10[%add3A_92, %dma_start3A_166] : memref<80x128xi32, #tpu.memory_space<vmem>> -> memref<1x128xi32, #tpu.memory_space<vmem>>
        %dma_start3A_168 = tpu.memref_squeeze %dma_start3A_167 : memref<1x128xi32, #tpu.memory_space<vmem>> -> memref<128xi32, #tpu.memory_space<vmem>>
        %dma_start3A_169 = arith.constant 0 : i32
        %dma_start3A_170 = arith.constant 0 : i32
        %dma_start3A_171 = tpu.memref_slice %arg15[%dma_start3A_169, %dma_start3A_170] : memref<10112x16xi16, #tpu.memory_space<vmem_shared>> -> memref<10112x16xi16, #tpu.memory_space<vmem_shared>>
        tpu.enqueue_indirect_dma source(%arg12 : memref<128x16xi16, #tpu.memory_space<vmem>>) target(%dma_start3A_171 : memref<10112x16xi16, #tpu.memory_space<vmem_shared>>) offsets(%dma_start3A_168 : memref<128xi32, #tpu.memory_space<vmem>>) semaphore(%run_scoped3A_165 : memref<!tpu.dma_semaphore, #tpu.memory_space<semaphore_mem>>) {add = true}
        %dma_wait3A_172 = arith.constant 0 : i32
        %dma_wait3A_173 = tpu.memref_slice %arg10[%add3A_92, %dma_wait3A_172] : memref<80x128xi32, #tpu.memory_space<vmem>> -> memref<1x128xi32, #tpu.memory_space<vmem>>
        %dma_wait3A_174 = tpu.memref_squeeze %dma_wait3A_173 : memref<1x128xi32, #tpu.memory_space<vmem>> -> memref<128xi32, #tpu.memory_space<vmem>>
        %dma_wait3A_175 = arith.constant 0 : i32
        %dma_wait3A_176 = arith.constant 0 : i32
        %dma_wait3A_177 = tpu.memref_slice %arg15[%dma_wait3A_175, %dma_wait3A_176] : memref<10112x16xi16, #tpu.memory_space<vmem_shared>> -> memref<10112x16xi16, #tpu.memory_space<vmem_shared>>
        tpu.wait_indirect_dma semaphore(%run_scoped3A_165 : memref<!tpu.dma_semaphore, #tpu.memory_space<semaphore_mem>>) src(%arg12 : memref<128x16xi16, #tpu.memory_space<vmem>>) dst(%dma_wait3A_177 : memref<10112x16xi16, #tpu.memory_space<vmem_shared>>)
        tpu.yield
      }) : () -> ()
      %mul3A_114 = arith.constant 4 : i32
      %mul3A_115 = arith.muli %mul3A_114, %scan3A_67 : i32
      %add3A_116 = arith.constant 2 : i32
      %add3A_117 = arith.addi %mul3A_115, %add3A_116 : i32
      %dma_wait3A_118 = arith.constant 2 : i32
      %dma_wait3A_119 = arith.constant 0 : i32
      %dma_wait3A_120 = arith.constant 0 : i32
      %dma_wait3A_121 = tpu.memref_slice %arg11[%dma_wait3A_118, %dma_wait3A_119, %dma_wait3A_120] : memref<4x128x32xf32, #tpu.memory_space<vmem>> -> memref<1x128x32xf32, #tpu.memory_space<vmem>>
      %dma_wait3A_122 = tpu.memref_squeeze %dma_wait3A_121 : memref<1x128x32xf32, #tpu.memory_space<vmem>> -> memref<128x32xf32, #tpu.memory_space<vmem>>
      %dma_wait3A_123 = arith.constant 0 : i32
      %dma_wait3A_124 = tpu.memref_slice %arg9[%add3A_117, %dma_wait3A_123] : memref<80x128xi32, #tpu.memory_space<vmem>> -> memref<1x128xi32, #tpu.memory_space<vmem>>
      %dma_wait3A_125 = tpu.memref_squeeze %dma_wait3A_124 : memref<1x128xi32, #tpu.memory_space<vmem>> -> memref<128xi32, #tpu.memory_space<vmem>>
      %dma_wait3A_126 = arith.constant 0 : i32
      %dma_wait3A_127 = arith.constant 0 : i32
      %dma_wait3A_128 = tpu.memref_slice %arg13[%dma_wait3A_126, %dma_wait3A_127] : memref<10112x32xf32, #tpu.memory_space<vmem_shared>> -> memref<10112x32xf32, #tpu.memory_space<vmem_shared>>
      tpu.wait_indirect_dma semaphore(%arg18 : memref<!tpu.dma_semaphore, #tpu.memory_space<semaphore_mem>>) src(%dma_wait3A_128 : memref<10112x32xf32, #tpu.memory_space<vmem_shared>>) dst(%dma_wait3A_122 : memref<128x32xf32, #tpu.memory_space<vmem>>)
      %add3A_129 = arith.constant 4 : i32
      %add3A_130 = arith.addi %add3A_117, %add3A_129 : i32
      %sub3A_131 = arith.constant 1 : i32
      %sub3A_132 = arith.subi %add3A_130, %sub3A_131 : i32
      %lt3A_133 = arith.constant 80 : i32
      %lt3A_134 = arith.cmpi slt, %sub3A_132, %lt3A_133 : i32
      %convert_element_type3A_135 = arith.extui %lt3A_134 : i1 to i32
      %cond3A_136 = arith.constant 0 : i32
      %cond3A_137 = arith.cmpi ne, %convert_element_type3A_135, %cond3A_136 : i32
      scf.if %cond3A_137 {
        %add3A_165 = arith.constant 4 : i32
        %add3A_166 = arith.addi %add3A_117, %add3A_165 : i32
        %sub3A_167 = arith.constant 1 : i32
        %sub3A_168 = arith.subi %add3A_166, %sub3A_167 : i32
        %dma_start3A_169 = arith.constant 1 : i32
        %dma_start3A_170 = arith.constant 0 : i32
        %dma_start3A_171 = arith.constant 0 : i32
        %dma_start3A_172 = tpu.memref_slice %arg11[%dma_start3A_169, %dma_start3A_170, %dma_start3A_171] : memref<4x128x32xf32, #tpu.memory_space<vmem>> -> memref<1x128x32xf32, #tpu.memory_space<vmem>>
        %dma_start3A_173 = tpu.memref_squeeze %dma_start3A_172 : memref<1x128x32xf32, #tpu.memory_space<vmem>> -> memref<128x32xf32, #tpu.memory_space<vmem>>
        %dma_start3A_174 = arith.constant 0 : i32
        %dma_start3A_175 = tpu.memref_slice %arg9[%sub3A_168, %dma_start3A_174] : memref<80x128xi32, #tpu.memory_space<vmem>> -> memref<1x128xi32, #tpu.memory_space<vmem>>
        %dma_start3A_176 = tpu.memref_squeeze %dma_start3A_175 : memref<1x128xi32, #tpu.memory_space<vmem>> -> memref<128xi32, #tpu.memory_space<vmem>>
        %dma_start3A_177 = arith.constant 0 : i32
        %dma_start3A_178 = arith.constant 0 : i32
        %dma_start3A_179 = tpu.memref_slice %arg13[%dma_start3A_177, %dma_start3A_178] : memref<10112x32xf32, #tpu.memory_space<vmem_shared>> -> memref<10112x32xf32, #tpu.memory_space<vmem_shared>>
        tpu.enqueue_indirect_dma source(%dma_start3A_179 : memref<10112x32xf32, #tpu.memory_space<vmem_shared>>) target(%dma_start3A_173 : memref<128x32xf32, #tpu.memory_space<vmem>>) offsets(%dma_start3A_176 : memref<128xi32, #tpu.memory_space<vmem>>) semaphore(%arg17 : memref<!tpu.dma_semaphore, #tpu.memory_space<semaphore_mem>>)
      } else {
      }
      %run_scoped3A_138 = arith.constant 2 : i32
      "tpu.region"() ({
        %run_scoped3A_165 = tpu.sem_alloc : memref<!tpu.dma_semaphore, #tpu.memory_space<semaphore_mem>>
        %dma_start3A_166 = arith.constant 0 : i32
        %dma_start3A_167 = arith.constant 0 : i32
        %dma_start3A_168 = tpu.memref_slice %arg11[%run_scoped3A_138, %dma_start3A_166, %dma_start3A_167] : memref<4x128x32xf32, #tpu.memory_space<vmem>> -> memref<1x128x32xf32, #tpu.memory_space<vmem>>
        %dma_start3A_169 = tpu.memref_squeeze %dma_start3A_168 : memref<1x128x32xf32, #tpu.memory_space<vmem>> -> memref<128x32xf32, #tpu.memory_space<vmem>>
        %dma_start3A_170 = arith.constant 0 : i32
        %dma_start3A_171 = tpu.memref_slice %arg10[%add3A_117, %dma_start3A_170] : memref<80x128xi32, #tpu.memory_space<vmem>> -> memref<1x128xi32, #tpu.memory_space<vmem>>
        %dma_start3A_172 = tpu.memref_squeeze %dma_start3A_171 : memref<1x128xi32, #tpu.memory_space<vmem>> -> memref<128xi32, #tpu.memory_space<vmem>>
        %dma_start3A_173 = arith.constant 0 : i32
        %dma_start3A_174 = arith.constant 0 : i32
        %dma_start3A_175 = tpu.memref_slice %arg14[%dma_start3A_173, %dma_start3A_174] : memref<10112x32xf32, #tpu.memory_space<vmem_shared>> -> memref<10112x32xf32, #tpu.memory_space<vmem_shared>>
        tpu.enqueue_indirect_dma source(%dma_start3A_169 : memref<128x32xf32, #tpu.memory_space<vmem>>) target(%dma_start3A_175 : memref<10112x32xf32, #tpu.memory_space<vmem_shared>>) offsets(%dma_start3A_172 : memref<128xi32, #tpu.memory_space<vmem>>) semaphore(%run_scoped3A_165 : memref<!tpu.dma_semaphore, #tpu.memory_space<semaphore_mem>>) {add = true}
        %dma_wait3A_176 = arith.constant 0 : i32
        %dma_wait3A_177 = arith.constant 0 : i32
        %dma_wait3A_178 = tpu.memref_slice %arg11[%run_scoped3A_138, %dma_wait3A_176, %dma_wait3A_177] : memref<4x128x32xf32, #tpu.memory_space<vmem>> -> memref<1x128x32xf32, #tpu.memory_space<vmem>>
        %dma_wait3A_179 = tpu.memref_squeeze %dma_wait3A_178 : memref<1x128x32xf32, #tpu.memory_space<vmem>> -> memref<128x32xf32, #tpu.memory_space<vmem>>
        %dma_wait3A_180 = arith.constant 0 : i32
        %dma_wait3A_181 = tpu.memref_slice %arg10[%add3A_117, %dma_wait3A_180] : memref<80x128xi32, #tpu.memory_space<vmem>> -> memref<1x128xi32, #tpu.memory_space<vmem>>
        %dma_wait3A_182 = tpu.memref_squeeze %dma_wait3A_181 : memref<1x128xi32, #tpu.memory_space<vmem>> -> memref<128xi32, #tpu.memory_space<vmem>>
        %dma_wait3A_183 = arith.constant 0 : i32
        %dma_wait3A_184 = arith.constant 0 : i32
        %dma_wait3A_185 = tpu.memref_slice %arg14[%dma_wait3A_183, %dma_wait3A_184] : memref<10112x32xf32, #tpu.memory_space<vmem_shared>> -> memref<10112x32xf32, #tpu.memory_space<vmem_shared>>
        tpu.wait_indirect_dma semaphore(%run_scoped3A_165 : memref<!tpu.dma_semaphore, #tpu.memory_space<semaphore_mem>>) src(%dma_wait3A_179 : memref<128x32xf32, #tpu.memory_space<vmem>>) dst(%dma_wait3A_185 : memref<10112x32xf32, #tpu.memory_space<vmem_shared>>)
        tpu.yield
      }) : () -> ()
      "tpu.region"() ({
        %run_scoped3A_165 = tpu.sem_alloc : memref<!tpu.dma_semaphore, #tpu.memory_space<semaphore_mem>>
        %dma_start3A_166 = arith.constant 0 : i32
        %dma_start3A_167 = tpu.memref_slice %arg10[%add3A_117, %dma_start3A_166] : memref<80x128xi32, #tpu.memory_space<vmem>> -> memref<1x128xi32, #tpu.memory_space<vmem>>
        %dma_start3A_168 = tpu.memref_squeeze %dma_start3A_167 : memref<1x128xi32, #tpu.memory_space<vmem>> -> memref<128xi32, #tpu.memory_space<vmem>>
        %dma_start3A_169 = arith.constant 0 : i32
        %dma_start3A_170 = arith.constant 0 : i32
        %dma_start3A_171 = tpu.memref_slice %arg15[%dma_start3A_169, %dma_start3A_170] : memref<10112x16xi16, #tpu.memory_space<vmem_shared>> -> memref<10112x16xi16, #tpu.memory_space<vmem_shared>>
        tpu.enqueue_indirect_dma source(%arg12 : memref<128x16xi16, #tpu.memory_space<vmem>>) target(%dma_start3A_171 : memref<10112x16xi16, #tpu.memory_space<vmem_shared>>) offsets(%dma_start3A_168 : memref<128xi32, #tpu.memory_space<vmem>>) semaphore(%run_scoped3A_165 : memref<!tpu.dma_semaphore, #tpu.memory_space<semaphore_mem>>) {add = true}
        %dma_wait3A_172 = arith.constant 0 : i32
        %dma_wait3A_173 = tpu.memref_slice %arg10[%add3A_117, %dma_wait3A_172] : memref<80x128xi32, #tpu.memory_space<vmem>> -> memref<1x128xi32, #tpu.memory_space<vmem>>
        %dma_wait3A_174 = tpu.memref_squeeze %dma_wait3A_173 : memref<1x128xi32, #tpu.memory_space<vmem>> -> memref<128xi32, #tpu.memory_space<vmem>>
        %dma_wait3A_175 = arith.constant 0 : i32
        %dma_wait3A_176 = arith.constant 0 : i32
        %dma_wait3A_177 = tpu.memref_slice %arg15[%dma_wait3A_175, %dma_wait3A_176] : memref<10112x16xi16, #tpu.memory_space<vmem_shared>> -> memref<10112x16xi16, #tpu.memory_space<vmem_shared>>
        tpu.wait_indirect_dma semaphore(%run_scoped3A_165 : memref<!tpu.dma_semaphore, #tpu.memory_space<semaphore_mem>>) src(%arg12 : memref<128x16xi16, #tpu.memory_space<vmem>>) dst(%dma_wait3A_177 : memref<10112x16xi16, #tpu.memory_space<vmem_shared>>)
        tpu.yield
      }) : () -> ()
      %mul3A_139 = arith.constant 4 : i32
      %mul3A_140 = arith.muli %mul3A_139, %scan3A_67 : i32
      %add3A_141 = arith.constant 3 : i32
      %add3A_142 = arith.addi %mul3A_140, %add3A_141 : i32
      %dma_wait3A_143 = arith.constant 3 : i32
      %dma_wait3A_144 = arith.constant 0 : i32
      %dma_wait3A_145 = arith.constant 0 : i32
      %dma_wait3A_146 = tpu.memref_slice %arg11[%dma_wait3A_143, %dma_wait3A_144, %dma_wait3A_145] : memref<4x128x32xf32, #tpu.memory_space<vmem>> -> memref<1x128x32xf32, #tpu.memory_space<vmem>>
      %dma_wait3A_147 = tpu.memref_squeeze %dma_wait3A_146 : memref<1x128x32xf32, #tpu.memory_space<vmem>> -> memref<128x32xf32, #tpu.memory_space<vmem>>
      %dma_wait3A_148 = arith.constant 0 : i32
      %dma_wait3A_149 = tpu.memref_slice %arg9[%add3A_142, %dma_wait3A_148] : memref<80x128xi32, #tpu.memory_space<vmem>> -> memref<1x128xi32, #tpu.memory_space<vmem>>
      %dma_wait3A_150 = tpu.memref_squeeze %dma_wait3A_149 : memref<1x128xi32, #tpu.memory_space<vmem>> -> memref<128xi32, #tpu.memory_space<vmem>>
      %dma_wait3A_151 = arith.constant 0 : i32
      %dma_wait3A_152 = arith.constant 0 : i32
      %dma_wait3A_153 = tpu.memref_slice %arg13[%dma_wait3A_151, %dma_wait3A_152] : memref<10112x32xf32, #tpu.memory_space<vmem_shared>> -> memref<10112x32xf32, #tpu.memory_space<vmem_shared>>
      tpu.wait_indirect_dma semaphore(%arg19 : memref<!tpu.dma_semaphore, #tpu.memory_space<semaphore_mem>>) src(%dma_wait3A_153 : memref<10112x32xf32, #tpu.memory_space<vmem_shared>>) dst(%dma_wait3A_147 : memref<128x32xf32, #tpu.memory_space<vmem>>)
      %add3A_154 = arith.constant 4 : i32
      %add3A_155 = arith.addi %add3A_142, %add3A_154 : i32
      %sub3A_156 = arith.constant 1 : i32
      %sub3A_157 = arith.subi %add3A_155, %sub3A_156 : i32
      %lt3A_158 = arith.constant 80 : i32
      %lt3A_159 = arith.cmpi slt, %sub3A_157, %lt3A_158 : i32
      %convert_element_type3A_160 = arith.extui %lt3A_159 : i1 to i32
      %cond3A_161 = arith.constant 0 : i32
      %cond3A_162 = arith.cmpi ne, %convert_element_type3A_160, %cond3A_161 : i32
      scf.if %cond3A_162 {
        %add3A_165 = arith.constant 4 : i32
        %add3A_166 = arith.addi %add3A_142, %add3A_165 : i32
        %sub3A_167 = arith.constant 1 : i32
        %sub3A_168 = arith.subi %add3A_166, %sub3A_167 : i32
        %dma_start3A_169 = arith.constant 2 : i32
        %dma_start3A_170 = arith.constant 0 : i32
        %dma_start3A_171 = arith.constant 0 : i32
        %dma_start3A_172 = tpu.memref_slice %arg11[%dma_start3A_169, %dma_start3A_170, %dma_start3A_171] : memref<4x128x32xf32, #tpu.memory_space<vmem>> -> memref<1x128x32xf32, #tpu.memory_space<vmem>>
        %dma_start3A_173 = tpu.memref_squeeze %dma_start3A_172 : memref<1x128x32xf32, #tpu.memory_space<vmem>> -> memref<128x32xf32, #tpu.memory_space<vmem>>
        %dma_start3A_174 = arith.constant 0 : i32
        %dma_start3A_175 = tpu.memref_slice %arg9[%sub3A_168, %dma_start3A_174] : memref<80x128xi32, #tpu.memory_space<vmem>> -> memref<1x128xi32, #tpu.memory_space<vmem>>
        %dma_start3A_176 = tpu.memref_squeeze %dma_start3A_175 : memref<1x128xi32, #tpu.memory_space<vmem>> -> memref<128xi32, #tpu.memory_space<vmem>>
        %dma_start3A_177 = arith.constant 0 : i32
        %dma_start3A_178 = arith.constant 0 : i32
        %dma_start3A_179 = tpu.memref_slice %arg13[%dma_start3A_177, %dma_start3A_178] : memref<10112x32xf32, #tpu.memory_space<vmem_shared>> -> memref<10112x32xf32, #tpu.memory_space<vmem_shared>>
        tpu.enqueue_indirect_dma source(%dma_start3A_179 : memref<10112x32xf32, #tpu.memory_space<vmem_shared>>) target(%dma_start3A_173 : memref<128x32xf32, #tpu.memory_space<vmem>>) offsets(%dma_start3A_176 : memref<128xi32, #tpu.memory_space<vmem>>) semaphore(%arg18 : memref<!tpu.dma_semaphore, #tpu.memory_space<semaphore_mem>>)
      } else {
      }
      %run_scoped3A_163 = arith.constant 3 : i32
      "tpu.region"() ({
        %run_scoped3A_165 = tpu.sem_alloc : memref<!tpu.dma_semaphore, #tpu.memory_space<semaphore_mem>>
        %dma_start3A_166 = arith.constant 0 : i32
        %dma_start3A_167 = arith.constant 0 : i32
        %dma_start3A_168 = tpu.memref_slice %arg11[%run_scoped3A_163, %dma_start3A_166, %dma_start3A_167] : memref<4x128x32xf32, #tpu.memory_space<vmem>> -> memref<1x128x32xf32, #tpu.memory_space<vmem>>
        %dma_start3A_169 = tpu.memref_squeeze %dma_start3A_168 : memref<1x128x32xf32, #tpu.memory_space<vmem>> -> memref<128x32xf32, #tpu.memory_space<vmem>>
        %dma_start3A_170 = arith.constant 0 : i32
        %dma_start3A_171 = tpu.memref_slice %arg10[%add3A_142, %dma_start3A_170] : memref<80x128xi32, #tpu.memory_space<vmem>> -> memref<1x128xi32, #tpu.memory_space<vmem>>
        %dma_start3A_172 = tpu.memref_squeeze %dma_start3A_171 : memref<1x128xi32, #tpu.memory_space<vmem>> -> memref<128xi32, #tpu.memory_space<vmem>>
        %dma_start3A_173 = arith.constant 0 : i32
        %dma_start3A_174 = arith.constant 0 : i32
        %dma_start3A_175 = tpu.memref_slice %arg14[%dma_start3A_173, %dma_start3A_174] : memref<10112x32xf32, #tpu.memory_space<vmem_shared>> -> memref<10112x32xf32, #tpu.memory_space<vmem_shared>>
        tpu.enqueue_indirect_dma source(%dma_start3A_169 : memref<128x32xf32, #tpu.memory_space<vmem>>) target(%dma_start3A_175 : memref<10112x32xf32, #tpu.memory_space<vmem_shared>>) offsets(%dma_start3A_172 : memref<128xi32, #tpu.memory_space<vmem>>) semaphore(%run_scoped3A_165 : memref<!tpu.dma_semaphore, #tpu.memory_space<semaphore_mem>>) {add = true}
        %dma_wait3A_176 = arith.constant 0 : i32
        %dma_wait3A_177 = arith.constant 0 : i32
        %dma_wait3A_178 = tpu.memref_slice %arg11[%run_scoped3A_163, %dma_wait3A_176, %dma_wait3A_177] : memref<4x128x32xf32, #tpu.memory_space<vmem>> -> memref<1x128x32xf32, #tpu.memory_space<vmem>>
        %dma_wait3A_179 = tpu.memref_squeeze %dma_wait3A_178 : memref<1x128x32xf32, #tpu.memory_space<vmem>> -> memref<128x32xf32, #tpu.memory_space<vmem>>
        %dma_wait3A_180 = arith.constant 0 : i32
        %dma_wait3A_181 = tpu.memref_slice %arg10[%add3A_142, %dma_wait3A_180] : memref<80x128xi32, #tpu.memory_space<vmem>> -> memref<1x128xi32, #tpu.memory_space<vmem>>
        %dma_wait3A_182 = tpu.memref_squeeze %dma_wait3A_181 : memref<1x128xi32, #tpu.memory_space<vmem>> -> memref<128xi32, #tpu.memory_space<vmem>>
        %dma_wait3A_183 = arith.constant 0 : i32
        %dma_wait3A_184 = arith.constant 0 : i32
        %dma_wait3A_185 = tpu.memref_slice %arg14[%dma_wait3A_183, %dma_wait3A_184] : memref<10112x32xf32, #tpu.memory_space<vmem_shared>> -> memref<10112x32xf32, #tpu.memory_space<vmem_shared>>
        tpu.wait_indirect_dma semaphore(%run_scoped3A_165 : memref<!tpu.dma_semaphore, #tpu.memory_space<semaphore_mem>>) src(%dma_wait3A_179 : memref<128x32xf32, #tpu.memory_space<vmem>>) dst(%dma_wait3A_185 : memref<10112x32xf32, #tpu.memory_space<vmem_shared>>)
        tpu.yield
      }) : () -> ()
      "tpu.region"() ({
        %run_scoped3A_165 = tpu.sem_alloc : memref<!tpu.dma_semaphore, #tpu.memory_space<semaphore_mem>>
        %dma_start3A_166 = arith.constant 0 : i32
        %dma_start3A_167 = tpu.memref_slice %arg10[%add3A_142, %dma_start3A_166] : memref<80x128xi32, #tpu.memory_space<vmem>> -> memref<1x128xi32, #tpu.memory_space<vmem>>
        %dma_start3A_168 = tpu.memref_squeeze %dma_start3A_167 : memref<1x128xi32, #tpu.memory_space<vmem>> -> memref<128xi32, #tpu.memory_space<vmem>>
        %dma_start3A_169 = arith.constant 0 : i32
        %dma_start3A_170 = arith.constant 0 : i32
        %dma_start3A_171 = tpu.memref_slice %arg15[%dma_start3A_169, %dma_start3A_170] : memref<10112x16xi16, #tpu.memory_space<vmem_shared>> -> memref<10112x16xi16, #tpu.memory_space<vmem_shared>>
        tpu.enqueue_indirect_dma source(%arg12 : memref<128x16xi16, #tpu.memory_space<vmem>>) target(%dma_start3A_171 : memref<10112x16xi16, #tpu.memory_space<vmem_shared>>) offsets(%dma_start3A_168 : memref<128xi32, #tpu.memory_space<vmem>>) semaphore(%run_scoped3A_165 : memref<!tpu.dma_semaphore, #tpu.memory_space<semaphore_mem>>) {add = true}
        %dma_wait3A_172 = arith.constant 0 : i32
        %dma_wait3A_173 = tpu.memref_slice %arg10[%add3A_142, %dma_wait3A_172] : memref<80x128xi32, #tpu.memory_space<vmem>> -> memref<1x128xi32, #tpu.memory_space<vmem>>
        %dma_wait3A_174 = tpu.memref_squeeze %dma_wait3A_173 : memref<1x128xi32, #tpu.memory_space<vmem>> -> memref<128xi32, #tpu.memory_space<vmem>>
        %dma_wait3A_175 = arith.constant 0 : i32
        %dma_wait3A_176 = arith.constant 0 : i32
        %dma_wait3A_177 = tpu.memref_slice %arg15[%dma_wait3A_175, %dma_wait3A_176] : memref<10112x16xi16, #tpu.memory_space<vmem_shared>> -> memref<10112x16xi16, #tpu.memory_space<vmem_shared>>
        tpu.wait_indirect_dma semaphore(%run_scoped3A_165 : memref<!tpu.dma_semaphore, #tpu.memory_space<semaphore_mem>>) src(%arg12 : memref<128x16xi16, #tpu.memory_space<vmem>>) dst(%dma_wait3A_177 : memref<10112x16xi16, #tpu.memory_space<vmem_shared>>)
        tpu.yield
      }) : () -> ()
      %scan3A_164 = arith.constant 0 : i32
      scf.yield %scan3A_164 : i32
    }
    %scan3A_65 = arith.constant 20 : i32
    %barrier3A_66 = arith.constant 0 : index
    tpu.barrier barrier_id(%barrier3A_66)
    "tpu.region"() ({
      %run_scoped3A_67 = tpu.sem_alloc : memref<!tpu.dma_semaphore, #tpu.memory_space<semaphore_mem>>
      %dma_start3A_68 = arith.constant 0 : i32
      %dma_start3A_69 = tpu.memref_slice %arg7[%arg0, %mul3A_9, %dma_start3A_68] : memref<2x10112x32xf32, #tpu.memory_space<hbm>> -> memref<1x632x32xf32, #tpu.memory_space<hbm>>
      %dma_start3A_70 = tpu.memref_squeeze %dma_start3A_69 : memref<1x632x32xf32, #tpu.memory_space<hbm>> -> memref<632x32xf32, #tpu.memory_space<hbm>>
      %dma_start3A_71 = arith.constant 0 : i32
      %dma_start3A_72 = tpu.memref_slice %arg14[%mul3A_9, %dma_start3A_71] : memref<10112x32xf32, #tpu.memory_space<vmem_shared>> -> memref<632x32xf32, #tpu.memory_space<vmem_shared>>
      tpu.enqueue_dma source(%dma_start3A_72 : memref<632x32xf32, #tpu.memory_space<vmem_shared>>) target(%dma_start3A_70 : memref<632x32xf32, #tpu.memory_space<hbm>>) target_semaphore(%run_scoped3A_67 : memref<!tpu.dma_semaphore, #tpu.memory_space<semaphore_mem>>)
      %dma_wait3A = arith.constant 0 : i32
      %dma_wait3A_73 = tpu.memref_slice %arg7[%arg0, %mul3A_9, %dma_wait3A] : memref<2x10112x32xf32, #tpu.memory_space<hbm>> -> memref<1x632x32xf32, #tpu.memory_space<hbm>>
      %dma_wait3A_74 = tpu.memref_squeeze %dma_wait3A_73 : memref<1x632x32xf32, #tpu.memory_space<hbm>> -> memref<632x32xf32, #tpu.memory_space<hbm>>
      %dma_wait3A_75 = arith.constant 0 : i32
      %dma_wait3A_76 = tpu.memref_slice %arg14[%mul3A_9, %dma_wait3A_75] : memref<10112x32xf32, #tpu.memory_space<vmem_shared>> -> memref<632x32xf32, #tpu.memory_space<vmem_shared>>
      tpu.wait_dma2 semaphore(%run_scoped3A_67 : memref<!tpu.dma_semaphore, #tpu.memory_space<semaphore_mem>>) src(%dma_wait3A_76 : memref<632x32xf32, #tpu.memory_space<vmem_shared>>) dst(%dma_wait3A_74 : memref<632x32xf32, #tpu.memory_space<hbm>>)
      tpu.yield
    }) : () -> ()
    "tpu.region"() ({
      %run_scoped3A_67 = tpu.sem_alloc : memref<!tpu.dma_semaphore, #tpu.memory_space<semaphore_mem>>
      %dma_start3A_68 = arith.constant 0 : i32
      %dma_start3A_69 = tpu.memref_slice %arg8[%arg0, %mul3A_9, %dma_start3A_68] : memref<2x10112x16xi16, #tpu.memory_space<hbm>> -> memref<1x632x16xi16, #tpu.memory_space<hbm>>
      %dma_start3A_70 = tpu.memref_squeeze %dma_start3A_69 : memref<1x632x16xi16, #tpu.memory_space<hbm>> -> memref<632x16xi16, #tpu.memory_space<hbm>>
      %dma_start3A_71 = arith.constant 0 : i32
      %dma_start3A_72 = tpu.memref_slice %arg15[%mul3A_9, %dma_start3A_71] : memref<10112x16xi16, #tpu.memory_space<vmem_shared>> -> memref<632x16xi16, #tpu.memory_space<vmem_shared>>
      tpu.enqueue_dma source(%dma_start3A_72 : memref<632x16xi16, #tpu.memory_space<vmem_shared>>) target(%dma_start3A_70 : memref<632x16xi16, #tpu.memory_space<hbm>>) target_semaphore(%run_scoped3A_67 : memref<!tpu.dma_semaphore, #tpu.memory_space<semaphore_mem>>)
      %dma_wait3A = arith.constant 0 : i32
      %dma_wait3A_73 = tpu.memref_slice %arg8[%arg0, %mul3A_9, %dma_wait3A] : memref<2x10112x16xi16, #tpu.memory_space<hbm>> -> memref<1x632x16xi16, #tpu.memory_space<hbm>>
      %dma_wait3A_74 = tpu.memref_squeeze %dma_wait3A_73 : memref<1x632x16xi16, #tpu.memory_space<hbm>> -> memref<632x16xi16, #tpu.memory_space<hbm>>
      %dma_wait3A_75 = arith.constant 0 : i32
      %dma_wait3A_76 = tpu.memref_slice %arg15[%mul3A_9, %dma_wait3A_75] : memref<10112x16xi16, #tpu.memory_space<vmem_shared>> -> memref<632x16xi16, #tpu.memory_space<vmem_shared>>
      tpu.wait_dma2 semaphore(%run_scoped3A_67 : memref<!tpu.dma_semaphore, #tpu.memory_space<semaphore_mem>>) src(%dma_wait3A_76 : memref<632x16xi16, #tpu.memory_space<vmem_shared>>) dst(%dma_wait3A_74 : memref<632x16xi16, #tpu.memory_space<hbm>>)
      tpu.yield
    }) : () -> ()
    return
  }
}

module attributes {stable_mosaic.version = 14 : i64} {
  func.func @_proj_body(%arg0: memref<10000x128xf32, #tpu.memory_space<vmem>>, %arg1: memref<2x320000xi32, #tpu.memory_space<vmem>>, %arg2: memref<32x128xf32, #tpu.memory_space<vmem>>, %arg3: memref<32x128xf32, #tpu.memory_space<vmem>>, %arg4: memref<10000x32xf32, #tpu.memory_space<vmem>>, %arg5: memref<10112x32xf32, #tpu.memory_space<vmem>>, %arg6: memref<32x80x128xi32, #tpu.memory_space<vmem>>, %arg7: memref<32x80x128xi32, #tpu.memory_space<vmem>>) attributes {dimension_semantics = [], scalar_prefetch = 0 : i64, scratch_operands = 0 : i64, tpu.core_type = #tpu.core_type<tc>} {
    %get3A = arith.constant 0 : index
    %get3A_0 = arith.constant 0 : index
    %get3A_1 = vector.load %arg0[%get3A, %get3A_0] : memref<10000x128xf32, #tpu.memory_space<vmem>>, vector<10000x128xf32>
    %get3A_2 = arith.constant 0 : index
    %get3A_3 = arith.constant 0 : index
    %get3A_4 = vector.load %arg2[%get3A_2, %get3A_3] : memref<32x128xf32, #tpu.memory_space<vmem>>, vector<32x128xf32>
    %dot_general3A = arith.constant dense<0.000000e+00> : vector<10000x32xf32>
    %dot_general3A_5 = tpu.matmul %get3A_1, %get3A_4, %dot_general3A {dimension_numbers = #tpu.dot_dimension_numbers<[1], [1], [0], [0], [0, 0, 1, 0], [], []>, transpose_lhs_hint = false} : vector<10000x128xf32>, vector<32x128xf32>, vector<10000x32xf32> -> vector<10000x32xf32>
    %swap3A = arith.constant 0 : index
    %swap3A_6 = arith.constant 0 : index
    %swap3A_7 = vector.load %arg4[%swap3A, %swap3A_6] : memref<10000x32xf32, #tpu.memory_space<vmem>>, vector<10000x32xf32>
    tpu.vector_store %arg4[%swap3A, %swap3A_6], %dot_general3A_5 {strides = array<i32>} : memref<10000x32xf32, #tpu.memory_space<vmem>>, vector<10000x32xf32>,
    %get3A_8 = arith.constant 0 : index
    %get3A_9 = arith.constant 0 : index
    %get3A_10 = vector.load %arg3[%get3A_8, %get3A_9] : memref<32x128xf32, #tpu.memory_space<vmem>>, vector<32x128xf32>
    %dot_general3A_11 = arith.constant dense<0.000000e+00> : vector<10000x32xf32>
    %dot_general3A_12 = tpu.matmul %get3A_1, %get3A_10, %dot_general3A_11 {dimension_numbers = #tpu.dot_dimension_numbers<[1], [1], [0], [0], [0, 0, 1, 0], [], []>, transpose_lhs_hint = false} : vector<10000x128xf32>, vector<32x128xf32>, vector<10000x32xf32> -> vector<10000x32xf32>
    %swap3A_13 = arith.constant 0 : index
    %swap3A_14 = arith.constant 0 : index
    %swap3A_15 = vector.load %arg5[%swap3A_13, %swap3A_14] : memref<10112x32xf32, #tpu.memory_space<vmem>>, vector<10000x32xf32>
    tpu.vector_store %arg5[%swap3A_13, %swap3A_14], %dot_general3A_12 {strides = array<i32>} : memref<10112x32xf32, #tpu.memory_space<vmem>>, vector<10000x32xf32>,
    %broadcast_in_dim3A = arith.constant 0.000000e+00 : f32
    %broadcast_in_dim3A_16 = vector.broadcast %broadcast_in_dim3A : f32 to vector<112x32xf32>
    %swap3A_17 = arith.constant 10000 : index
    %swap3A_18 = arith.constant 0 : index
    %swap3A_19 = vector.load %arg5[%swap3A_17, %swap3A_18] : memref<10112x32xf32, #tpu.memory_space<vmem>>, vector<112x32xf32>
    tpu.vector_store %arg5[%swap3A_17, %swap3A_18], %broadcast_in_dim3A_16 {strides = array<i32>} : memref<10112x32xf32, #tpu.memory_space<vmem>>, vector<112x32xf32>,
    %get3A_20 = arith.constant 0 : index
    %get3A_21 = arith.constant 0 : index
    %get3A_22 = vector.load %arg1[%get3A_20, %get3A_21] : memref<2x320000xi32, #tpu.memory_space<vmem>>, vector<1x320000xi32>
    %get3A_23 = vector.shape_cast %get3A_22 : vector<1x320000xi32> to vector<320000xi32>
    %broadcast_in_dim3A_24 = arith.constant 0 : i32
    %broadcast_in_dim3A_25 = vector.broadcast %broadcast_in_dim3A_24 : i32 to vector<7680xi32>
    %concatenate3A = tpu.concatenate %get3A_23, %broadcast_in_dim3A_25 in 0 : vector<320000xi32>, vector<7680xi32> -> vector<327680xi32>
    %reshape3A = vector.shape_cast %concatenate3A : vector<327680xi32> to vector<32x80x128xi32>
    %swap3A_26 = arith.constant 0 : index
    %swap3A_27 = arith.constant 0 : index
    %swap3A_28 = arith.constant 0 : index
    %swap3A_29 = vector.load %arg6[%swap3A_26, %swap3A_27, %swap3A_28] : memref<32x80x128xi32, #tpu.memory_space<vmem>>, vector<32x80x128xi32>
    tpu.vector_store %arg6[%swap3A_26, %swap3A_27, %swap3A_28], %reshape3A {strides = array<i32>} : memref<32x80x128xi32, #tpu.memory_space<vmem>>, vector<32x80x128xi32>,
    %get3A_30 = arith.constant 1 : index
    %get3A_31 = arith.constant 0 : index
    %get3A_32 = vector.load %arg1[%get3A_30, %get3A_31] : memref<2x320000xi32, #tpu.memory_space<vmem>>, vector<1x320000xi32>
    %get3A_33 = vector.shape_cast %get3A_32 : vector<1x320000xi32> to vector<320000xi32>
    %broadcast_in_dim3A_34 = arith.constant 10000 : i32
    %broadcast_in_dim3A_35 = vector.broadcast %broadcast_in_dim3A_34 : i32 to vector<7680xi32>
    %concatenate3A_36 = tpu.concatenate %get3A_33, %broadcast_in_dim3A_35 in 0 : vector<320000xi32>, vector<7680xi32> -> vector<327680xi32>
    %reshape3A_37 = vector.shape_cast %concatenate3A_36 : vector<327680xi32> to vector<32x80x128xi32>
    %swap3A_38 = arith.constant 0 : index
    %swap3A_39 = arith.constant 0 : index
    %swap3A_40 = arith.constant 0 : index
    %swap3A_41 = vector.load %arg7[%swap3A_38, %swap3A_39, %swap3A_40] : memref<32x80x128xi32, #tpu.memory_space<vmem>>, vector<32x80x128xi32>
    tpu.vector_store %arg7[%swap3A_38, %swap3A_39, %swap3A_40], %reshape3A_37 {strides = array<i32>} : memref<32x80x128xi32, #tpu.memory_space<vmem>>, vector<32x80x128xi32>,
    return
  }
}

module attributes {stable_mosaic.version = 14 : i64} {
  func.func @_update_body(%arg0: memref<10000x32xf32, #tpu.memory_space<vmem>>, %arg1: memref<2x10112x32xf32, #tpu.memory_space<vmem>>, %arg2: memref<2x10112x16xi16, #tpu.memory_space<vmem>>, %arg3: memref<32x32xf32, #tpu.memory_space<vmem>>, %arg4: memref<1x32xf32, #tpu.memory_space<vmem>>, %arg5: memref<32x32xf32, #tpu.memory_space<vmem>>, %arg6: memref<1x32xf32, #tpu.memory_space<vmem>>, %arg7: memref<10000x32xf32, #tpu.memory_space<vmem>>) attributes {dimension_semantics = [], scalar_prefetch = 0 : i64, scratch_operands = 0 : i64, tpu.core_type = #tpu.core_type<tc>} {
    %get3A = arith.constant 0 : index
    %get3A_0 = arith.constant 0 : index
    %get3A_1 = arith.constant 0 : index
    %get3A_2 = vector.load %arg1[%get3A, %get3A_0, %get3A_1] : memref<2x10112x32xf32, #tpu.memory_space<vmem>>, vector<1x10000x32xf32>
    %get3A_3 = vector.shape_cast %get3A_2 : vector<1x10000x32xf32> to vector<10000x32xf32>
    %get3A_4 = arith.constant 1 : index
    %get3A_5 = arith.constant 0 : index
    %get3A_6 = arith.constant 0 : index
    %get3A_7 = vector.load %arg1[%get3A_4, %get3A_5, %get3A_6] : memref<2x10112x32xf32, #tpu.memory_space<vmem>>, vector<1x10000x32xf32>
    %get3A_8 = vector.shape_cast %get3A_7 : vector<1x10000x32xf32> to vector<10000x32xf32>
    %add3A = arith.addf %get3A_3, %get3A_8 : vector<10000x32xf32>
    %get3A_9 = arith.constant 0 : index
    %get3A_10 = arith.constant 0 : index
    %get3A_11 = arith.constant 0 : index
    %get3A_12 = vector.load %arg2[%get3A_9, %get3A_10, %get3A_11] : memref<2x10112x16xi16, #tpu.memory_space<vmem>>, vector<1x10000x1xi16>
    %get3A_13 = vector.shape_cast %get3A_12 : vector<1x10000x1xi16> to vector<10000x1xi16>
    %convert_element_type3A = arith.sitofp %get3A_13 : vector<10000x1xi16> to vector<10000x1xf32>
    %get3A_14 = arith.constant 1 : index
    %get3A_15 = arith.constant 0 : index
    %get3A_16 = arith.constant 0 : index
    %get3A_17 = vector.load %arg2[%get3A_14, %get3A_15, %get3A_16] : memref<2x10112x16xi16, #tpu.memory_space<vmem>>, vector<1x10000x1xi16>
    %get3A_18 = vector.shape_cast %get3A_17 : vector<1x10000x1xi16> to vector<10000x1xi16>
    %convert_element_type3A_19 = arith.sitofp %get3A_18 : vector<10000x1xi16> to vector<10000x1xf32>
    %add3A_20 = arith.addf %convert_element_type3A, %convert_element_type3A_19 : vector<10000x1xf32>
    %max3A = arith.constant 1.000000e+00 : f32
    %max3A_21 = vector.broadcast %max3A : f32 to vector<10000x1xf32>
    %max3A_22 = arith.maximumf %add3A_20, %max3A_21 : vector<10000x1xf32>
    %div3A = vector.broadcast %max3A_22 : vector<10000x1xf32> to vector<10000x32xf32>
    %div3A_23 = arith.divf %add3A, %div3A : vector<10000x32xf32>
    %get3A_24 = arith.constant 0 : index
    %get3A_25 = arith.constant 0 : index
    %get3A_26 = vector.load %arg0[%get3A_24, %get3A_25] : memref<10000x32xf32, #tpu.memory_space<vmem>>, vector<10000x32xf32>
    %add3A_27 = arith.addf %get3A_26, %div3A_23 : vector<10000x32xf32>
    %mul3A = arith.mulf %add3A_27, %add3A_27 : vector<10000x32xf32>
    %reduce_sum3A = arith.constant dense<0.000000e+00> : vector<10000xf32>
    %reduce_sum3A_28 = vector.multi_reduction <add>, %mul3A, %reduce_sum3A [1] : vector<10000x32xf32> to vector<10000xf32>
    %broadcast_in_dim3A = vector.shape_cast %reduce_sum3A_28 : vector<10000xf32> to vector<10000x1xf32>
    %sqrt3A = math.sqrt %broadcast_in_dim3A : vector<10000x1xf32>
    %max3A_29 = arith.constant 9.99999996E-13 : f32
    %max3A_30 = vector.broadcast %max3A_29 : f32 to vector<10000x1xf32>
    %max3A_31 = arith.maximumf %sqrt3A, %max3A_30 : vector<10000x1xf32>
    %div3A_32 = vector.broadcast %max3A_31 : vector<10000x1xf32> to vector<10000x32xf32>
    %div3A_33 = arith.divf %add3A_27, %div3A_32 : vector<10000x32xf32>
    %max3A_34 = arith.constant 0.000000e+00 : f32
    %max3A_35 = vector.broadcast %max3A_34 : f32 to vector<10000x32xf32>
    %max3A_36 = arith.maximumf %div3A_33, %max3A_35 : vector<10000x32xf32>
    %get3A_37 = arith.constant 0 : index
    %get3A_38 = arith.constant 0 : index
    %get3A_39 = vector.load %arg3[%get3A_37, %get3A_38] : memref<32x32xf32, #tpu.memory_space<vmem>>, vector<32x32xf32>
    %dot_general3A = arith.constant dense<0.000000e+00> : vector<10000x32xf32>
    %dot_general3A_40 = tpu.matmul %max3A_36, %get3A_39, %dot_general3A {dimension_numbers = #tpu.dot_dimension_numbers<[1], [1], [0], [0], [0, 0, 1, 0], [], []>, transpose_lhs_hint = false} : vector<10000x32xf32>, vector<32x32xf32>, vector<10000x32xf32> -> vector<10000x32xf32>
    %get3A_41 = arith.constant 0 : index
    %get3A_42 = arith.constant 0 : index
    %get3A_43 = vector.load %arg4[%get3A_41, %get3A_42] : memref<1x32xf32, #tpu.memory_space<vmem>>, vector<1x32xf32>
    %add3A_44 = vector.broadcast %get3A_43 : vector<1x32xf32> to vector<10000x32xf32>
    %add3A_45 = arith.addf %dot_general3A_40, %add3A_44 : vector<10000x32xf32>
    %get3A_46 = arith.constant 0 : index
    %get3A_47 = arith.constant 0 : index
    %get3A_48 = vector.load %arg5[%get3A_46, %get3A_47] : memref<32x32xf32, #tpu.memory_space<vmem>>, vector<32x32xf32>
    %dot_general3A_49 = arith.constant dense<0.000000e+00> : vector<10000x32xf32>
    %dot_general3A_50 = tpu.matmul %add3A_45, %get3A_48, %dot_general3A_49 {dimension_numbers = #tpu.dot_dimension_numbers<[1], [1], [0], [0], [0, 0, 1, 0], [], []>, transpose_lhs_hint = false} : vector<10000x32xf32>, vector<32x32xf32>, vector<10000x32xf32> -> vector<10000x32xf32>
    %get3A_51 = arith.constant 0 : index
    %get3A_52 = arith.constant 0 : index
    %get3A_53 = vector.load %arg6[%get3A_51, %get3A_52] : memref<1x32xf32, #tpu.memory_space<vmem>>, vector<1x32xf32>
    %add3A_54 = vector.broadcast %get3A_53 : vector<1x32xf32> to vector<10000x32xf32>
    %add3A_55 = arith.addf %dot_general3A_50, %add3A_54 : vector<10000x32xf32>
    %reduce_max3A = arith.constant dense<0xFF800000> : vector<10000xf32>
    %reduce_max3A_56 = vector.multi_reduction <maximumf>, %add3A_55, %reduce_max3A [1] : vector<10000x32xf32> to vector<10000xf32>
    %broadcast_in_dim3A_57 = vector.shape_cast %reduce_max3A_56 : vector<10000xf32> to vector<10000x1xf32>
    %sub3A = vector.broadcast %broadcast_in_dim3A_57 : vector<10000x1xf32> to vector<10000x32xf32>
    %sub3A_58 = arith.subf %add3A_55, %sub3A : vector<10000x32xf32>
    %exp3A = math.exp %sub3A_58 : vector<10000x32xf32>
    %reduce_sum3A_59 = arith.constant dense<0.000000e+00> : vector<10000xf32>
    %reduce_sum3A_60 = vector.multi_reduction <add>, %exp3A, %reduce_sum3A_59 [1] : vector<10000x32xf32> to vector<10000xf32>
    %broadcast_in_dim3A_61 = vector.shape_cast %reduce_sum3A_60 : vector<10000xf32> to vector<10000x1xf32>
    %sub3A_62 = vector.broadcast %broadcast_in_dim3A_57 : vector<10000x1xf32> to vector<10000x32xf32>
    %sub3A_63 = arith.subf %add3A_55, %sub3A_62 : vector<10000x32xf32>
    %log3A = math.log %broadcast_in_dim3A_61 : vector<10000x1xf32>
    %sub3A_64 = vector.broadcast %log3A : vector<10000x1xf32> to vector<10000x32xf32>
    %sub3A_65 = arith.subf %sub3A_63, %sub3A_64 : vector<10000x32xf32>
    %swap3A = arith.constant 0 : index
    %swap3A_66 = arith.constant 0 : index
    %swap3A_67 = vector.load %arg7[%swap3A, %swap3A_66] : memref<10000x32xf32, #tpu.memory_space<vmem>>, vector<10000x32xf32>
    tpu.vector_store %arg7[%swap3A, %swap3A_66], %sub3A_65 {strides = array<i32>} : memref<10000x32xf32, #tpu.memory_space<vmem>>, vector<10000x32xf32>,
    return
  }
}

</mosaic_0001>

<sc_bundles>
// kernel: kernel.5.cloned.1.call-start
scs
__scs_entry_jumppad:
0x0: {  	(pc) =	sbr.rel $0x88, $3  }
0x1: {  	(tag) =	ssettag $0x0;
	lr =	simm.s32 $0x1  }
0x2: {  	[smem:$0x3F99] =	sst lr;
	_ =	strace $0xD0000000  }
0x3: {  	_ = 	snop  }
0x4: {  	_ = 	snop  }
0x5: {  	_ = 	snop  }
0x6: {  	_ = 	snop  }
0x7: {  	_ = 	snop  }
__scs_overlays_trampoline_lowered:
0x8: {  	[smem:$0x3FA8] =	sst s0  }
0x9: {  	[smem:$0x3FA9] =	sst s1  }
0xa: {  	[smem:$0x3FAA] =	sst s2  }
0xb: {  	[smem:$0x3FAB] =	sst s3  }
0xc: {  	[smem:$0x3FAC] =	sst s4  }
0xd: {  	[smem:$0x3FAD] =	sst s5  }
0xe: {  	[smem:$0x3FAE] =	sst s6  }
0xf: {  	[smem:$0x3FAF] =	sst s7  }
0x10: {  	[smem:$0x3FB0] =	sst s8  }
0x11: {  	[smem:$0x3FB1] =	sst s9;
	s0 =	simm.s32 @!p0 $0x0  }
0x12: {  	s1 =	sld [smem:$0x3F97];
	s0 =	simm.s32 @p0 $0x1  }
0x13: {  	[smem:$0x3FB2] =	sst s0;
	s0 =	simm.s32 @!p1 $0x0  }
0x14: {  	s2 =	sld [smem:$0x3F96];
	s0 =	simm.s32 @p1 $0x1  }
0x15: {  	[smem:$0x3FB3] =	sst s0;
	s0 =	simm.s32 @!p2 $0x0  }
0x16: {  	s3 =	sld [smem:$0x3FDB];
	s0 =	simm.s32 @p2 $0x1  }
0x17: {  	s4 =	simm.s32 $0x1BF5;
	[smem:$0x3FB5] =	sst s0  }
0x18: {  	s0 =	sld [smem:$0x3F98];
	_ =	swait.ge [sflag:s4], $0x0  }
0x19: {  	s7 =	sld [smem:$0x3F99]  }
0x1a: {  	s8 =	sadd.s32 $0xFFFFE003, lr  }
0x1b: {  	s9 =	sadd.s32 $0xFFFFFEF7, lr;
	s5 =	simm.s32 $0xFFFFFFFF;
	p2 =	slt.u32 s8, $0xFFFFF086  }
0x1c: {  	p1 =	slt.u32 s9, $0xF7A;
	s5 =	simm.s32 @!p2 $0x0  }
0x1d: {  	s5 =	simm.s32 @p1 $0x1;
	p0 =	seq.s32 s7, s2  }
0x1e: {  	s7 =	smul.u32 @!p0 $0xF7A, s2;
	p2 =	seq.s32 @!p0 s5, $0x0  }
0x1f: {  	s9 =	smul.u32 $0xF7A, s1;
	s8 =	simm.s32 @!p0 $0x1BF5;
	p2 =	por !p2, p0  }
0x20: {  	[sflag:s8] =	ssyncset.s32 @!p0 $0xFFFFF086;
	s6 =	sadd.s32 @!p0 s3, s7;
	s7 =	simm.s32 @!p0 $0x108  }
0x21: {  	s3 =	sadd.s32 s3, s9;
	s6 =	sadd.s32 @!p0 $0x88, s6;
	s7 =	simm.s32 @p2 $0x1082  }
0x22: {  	[simem:s7], [sflag:s8] =	dma.local @!p0 [hbm:s6], $0xF7A  }
0x23: {  	s9 =	sor.u32 $0xD0000000, s2;
	s6 =	simm.s32 $0x108;
	_ =	swait.ge @!p0 [sflag:s8], $0x0  }
0x24: {  	s3 =	sadd.s32 $0x88, s3;
	s6 =	simm.s32 @!p1 $0x1082;
	[sflag:s4] =	ssyncset.s32 $0xFFFFF086  }
0x25: {  	[simem:s6], [sflag:s4] =	dma.local [hbm:s3], $0xF7A  }
0x26: {  	[smem:$0x3F99] =	sst s1;
	(tag) =	ssettag s2;
	_ =	strace s9  }
0x27: {  	s1 =	sld [smem:$0x3FA9]  }
0x28: {  	s2 =	sld [smem:$0x3FAA]  }
0x29: {  	s4 =	sld [smem:$0x3FAC]  }
0x2a: {  	p0 =	seq.s32 s5, $0x0;
	s5 =	sld [smem:$0x3FAD]  }
0x2b: {  	s6 =	sld [smem:$0x3FAE]  }
0x2c: {  	s7 =	sld [smem:$0x3FAF]  }
0x2d: {  	s3 =	simm.s32 $0x108;
	s8 =	sld [smem:$0x3FB0]  }
0x2e: {  	s3 =	simm.s32 @!p0 $0x1082;
	s9 =	sld [smem:$0x3FB1]  }
0x2f: {  	lr =	sadd.s32 s0, s3;
	s0 =	sld [smem:$0x3FA8]  }
0x30: {  	s3 =	sld [smem:$0x3FAB]  }
0x31: {  	[smem:$0x3FB4] =	sst s10  }
0x32: {  	s10 =	sld [smem:$0x3FB2];
	_ =	sdelay $0x3  }
0x33: {  	p0 =	seq.s32 s10, $0x1;
	s10 =	sld [smem:$0x3FB4];
	_ =	sdelay $0x3  }
0x34: {  	[smem:$0x3FB4] =	sst s10  }
0x35: {  	s10 =	sld [smem:$0x3FB3];
	_ =	sdelay $0x3  }
0x36: {  	p1 =	seq.s32 s10, $0x1;
	s10 =	sld [smem:$0x3FB4];
	_ =	sdelay $0x3  }
0x37: {  	[smem:$0x3FB4] =	sst s10  }
0x38: {  	s10 =	sld [smem:$0x3FB5]  }
0x39: {  	_ = 	snop;
	(pc) =	sbr.ind lr, $3  }
0x3a: {  	_ = 	snop  }
0x3b: {  	_ = 	snop  }
0x3c: {  	p2 =	seq.s32 s10, $0x1;
	s10 =	sld [smem:$0x3FB4]  }
0x3d: {  	_ =	shalt  }
0x3e: {  	_ =	shalt  }
0x3f: {  	_ =	shalt  }
0x40: {  	_ =	shalt  }
0x41: {  	_ =	shalt  }
0x42: {  	_ =	shalt  }
0x43: {  	_ =	shalt  }
0x44: {  	_ =	shalt  }
0x45: {  	_ =	shalt  }
0x46: {  	_ =	shalt  }
0x47: {  	_ =	shalt  }
0x48: {  	_ =	shalt  }
0x49: {  	_ =	shalt  }
0x4a: {  	_ =	shalt  }
0x4b: {  	_ =	shalt  }
0x4c: {  	_ =	shalt  }
0x4d: {  	_ =	shalt  }
0x4e: {  	_ =	shalt  }
0x4f: {  	_ =	shalt  }
0x50: {  	_ =	shalt  }
0x51: {  	_ =	shalt  }
0x52: {  	_ =	shalt  }
0x53: {  	_ =	shalt  }
0x54: {  	_ =	shalt  }
0x55: {  	_ =	shalt  }
0x56: {  	_ =	shalt  }
0x57: {  	_ =	shalt  }
0x58: {  	_ =	shalt  }
0x59: {  	_ =	shalt  }
0x5a: {  	_ =	shalt  }
0x5b: {  	_ =	shalt  }
0x5c: {  	_ =	shalt  }
0x5d: {  	_ =	shalt  }
0x5e: {  	_ =	shalt  }
0x5f: {  	_ =	shalt  }
0x60: {  	_ =	shalt  }
0x61: {  	_ =	shalt  }
0x62: {  	_ =	shalt  }
0x63: {  	_ =	shalt  }
0x64: {  	_ =	shalt  }
0x65: {  	_ =	shalt  }
0x66: {  	_ =	shalt  }
0x67: {  	_ =	shalt  }
0x68: {  	_ =	shalt  }
0x69: {  	_ =	shalt  }
0x6a: {  	_ =	shalt  }
0x6b: {  	_ =	shalt  }
0x6c: {  	_ =	shalt  }
0x6d: {  	_ =	shalt  }
0x6e: {  	_ =	shalt  }
0x6f: {  	_ =	shalt  }
0x70: {  	_ =	shalt  }
0x71: {  	_ =	shalt  }
0x72: {  	_ =	shalt  }
0x73: {  	_ =	shalt  }
0x74: {  	_ =	shalt  }
0x75: {  	_ =	shalt  }
0x76: {  	_ =	shalt  }
0x77: {  	_ =	shalt  }
0x78: {  	_ =	shalt  }
0x79: {  	_ =	shalt  }
0x7a: {  	_ =	shalt  }
0x7b: {  	_ =	shalt  }
0x7c: {  	_ =	shalt  }
0x7d: {  	_ =	shalt  }
0x7e: {  	_ =	shalt  }
0x7f: {  	_ =	shalt  }
0x80: {  	_ =	shalt  }
0x81: {  	_ =	shalt  }
0x82: {  	_ =	shalt  }
0x83: {  	_ =	shalt  }
0x84: {  	_ =	shalt  }
0x85: {  	_ =	shalt  }
0x86: {  	_ =	shalt  }
0x87: {  	_ =	shalt  }
.Lfunc_end0:
.L_simem_size_0:
called_computation_lowered:
.L_overlay_start_0:
0x88: {  	s2 =	sld [smem:$0x3FD9]  }
0x89: {  	s3 =	sld [smem:$0x3FFE];
	_ =	sdelay $0x1  }
0x8a: {  	s1 =	srdreg.scid  }
0x8b: {  	s0 =	sand.u32 $0x1, s1  }
0x8c: {  	s17 =	sshll.u32 s0, $0xA;
	s2 =	sadd.s32 s3, s2  }
0x8d: {  	s2 =	sadd.s32 s2, s17  }
0x8e: {  	[smem:$0x3FC0] =	sst s2  }
0x8f: {  	_ = 	snop  }
0x90: {  	s2 =	sld [smem:$0x3FD0];
	(tm) =	ssettm $0x1  }
0x91: {  	s18 =	sld [smem:$0x3FFB];
	_ =	sdelay $0x3  }
0x92: {  	_ =	strace s18  }
0x93: {  	s3 =	sld [smem:$0x3FFC];
	_ =	sdelay $0x3  }
0x94: {  	_ =	strace s3  }
0x95: {  	s3 =	sld [smem:$0x3FFD];
	_ =	sdelay $0x3  }
0x96: {  	_ =	strace s3  }
0x97: {  	_ =	strace $0x8FFFFFFF  }
0x98: {  	s19 =	sld [smem:$0x3FDB];
	_ =	sdelay $0x1  }
0x99: {  	s4 =	simm.s32 $_scs_section_size  }
0x9a: {  	s5 =	simm.s32 $_size__tile_overlayer_lowered;
	s6 =	simm.s32 $_tile_overlayer_lowered  }
0x9b: {  	s22 =	simm.s32 $0x1BFF;
	s21 =	sshll.u32 s6, $0x1;
	s3 =	sadd.s32 s4, s19  }
0x9c: {  	s7 =	simm.s32 $0x0;
	s20 =	sshll.u32 s5, $0x1;
	s5 =	sadd.s32 s21, s3  }
0x9d: {  	[timem:s7], [sflag:s22] =	dma.local [hbm:s5], s20  }
0x9e: {  	_ =	swait.ge [sflag:s22], s20  }
0x9f: {  	s4 =	ssub.s32 $0x0, s20;
	[sflag:s22] =	ssyncset.done $0x0  }
0xa0: {  	[sflag:s22] =	ssyncadd.s32 s4;
	_ =	sdelay $0x1  }
0xa1: {  	s23 =	simm.s32 $0x1B8B  }
0xa2: {  	_ =	swait.ge [sflag:s23], $0x1  }
0xa3: {  	[sflag:s23] =	ssyncset.done $0x0  }
0xa4: {  	s25 =	simm.s32 $0x1B8E;
	s24 =	sld [smem:$0x3FFE];
	[sflag:s23] =	ssyncadd.s32 $0xFFFFFFFF  }
0xa5: {  	s26 =	simm.s32 $execute0_lowered;
	[smem:$0x3FD2] =	sst s25  }
0xa6: {  	s5 =	sshll.u32 s26, $0x1;
	_ =	strace $0x80000046;
	[dreg:$0x1] =	wrdreg $0xFFFFFFFF  }
0xa7: {  	s28 =	simm.s32 $_size_execute0_lowered;
	s3 =	sadd.s32 s3, s5;
	[dreg:$0x0] =	wrdreg $0x0  }
0xa8: {  	s5 =	sshll.u32 s28, $0x1;
	[dreg:$0x2] =	wrdreg s3  }
0xa9: {  	[dreg:$0x3] =	wrdreg s5  }
0xaa: {  	[dreg:$0x4] =	wrdreg $0xC0  }
0xab: {  	_ =	task [dreg:s7], $0x5FFFF  }
0xac: {  	[dreg:$0x1] =	wrdreg $0xFFFFFFFF  }
0xad: {  	[dreg:$0x0] =	wrdreg $0x60  }
0xae: {  	[dreg:$0x2] =	wrdreg s2  }
0xaf: {  	[dreg:$0x3] =	wrdreg s24  }
0xb0: {  	[dreg:$0x4] =	wrdreg $0x132000  }
0xb1: {  	[dreg:$0x5] =	wrdreg $0xE3000  }
0xb2: {  	[dreg:$0x6] =	wrdreg $0x94000  }
0xb3: {  	[dreg:$0x7] =	wrdreg $0x9  }
0xb4: {  	_ =	task.clear_ibuf [dreg:s7], $0x8FFFF;
	_ =	strace $0x90000046  }
0xb5: {  	s29 =	simm.s32 $0x9;
	_ =	strace $0x80000048  }
0xb6: {  	_ =	swait.ge [sflag:s29], $0x1  }
0xb7: {  	[sflag:s29] =	ssyncadd.s32 $0xFFFFFFFF  }
0xb8: {  	_ =	strace $0x90000048  }
0xb9: {  	_ =	sfence  }
0xba: {  	s30 =	sld [smem:$0x0];
	_ =	sdelay $0x2  }
0xbb: {  	s31 =	sshll.u32 s1, $0xD;
	s1 =	sshrl.u32 s1, $0x2  }
0xbc: {  	s3 =	sand.u32 $0x4000, s31;
	s1 =	sadd.s32 s1, s30  }
0xbd: {  	s0 =	sor.u32 s3, s0;
	s1 =	sshll.u32 s1, $0x11  }
0xbe: {  	s0 =	sor.u32 s1, s0  }
0xbf: {  	s0 =	sadd.s32 $0x8F2B, s0  }
0xc0: {  	[sflag:s0] =	ssyncadd.remote.s32 $0x1  }
0xc1: {  	_ =	sfence.sel $0xFFFF  }
0xc2: {  	[dreg:$0x0] =	wrdreg $0xFFFFFFFF;
	(pc) =	sbr.abs _section_cstart, $3  }
0xc3: {  	[dreg:$0x1] =	wrdreg $0xFFFFFFFF  }
0xc4: {  	_ =	task.clear_ibuf [dreg:s7], $0x2FFFF;
	_ =	strace $0x9FFFFFFF  }
0xc5: {  	(tm) =	ssettm $0x7FFFFFFF  }
tec
execute0_lowered:
.L_overlay_start_1:
0x0: {  	(tag) =	ssettag $0x1  }
0x1: {  	s0 =	rddreg [dreg:$0x0]  }
0x2: {  	s1 =	srdreg.scid;
	s6 =	rddreg [dreg:$0x1]  }
0x3: {  	s12 =	stileid.u32;
	s2 =	rddreg [dreg:$0x2];
	s5 =	simm.s32 $0x0  }
0x4: {  	s29 =	simm.s32 $0x7000;
	s30 =	simm.s32 $0x1;
	s8 =	smul.u32 $0x4F00, s12  }
0x5: {  	s31 =	simm.s32 $0x8000;
	s28 =	simm.s32 $0x4E00;
	s10 =	smul.u32 $0x2780, s12  }
0x6: {  	s1 =	sand.u32 $0x1, s1;
	s3 =	sshll.u32 s12, $0x1;
	s12 =	smul.u32 $0x13C00, s12  }
0x7: {  	[smem:$0x7FF] =	sst s5;
	s13 =	sadd.s32 $0x2000, s6;
	s9 =	smul.u32 $0x4F000, s1  }
0x8: {  	s4 =	sor.u32 s1, s3;
	s3 =	rddreg [dreg:$0x3];
	s11 =	smul.u32 $0x27800, s1  }
0x9: {  	s16 =	sadd.s32 $0x2200, s6;
	s7 =	smul.u32 $0x500, s4;
	s4 =	rddreg [dreg:$0x4]  }
0xa: {  	s1 =	ssub.s32 $0x2, s1;
	_ =	strace $0x80000047;
	[dreg:$0x6] =	wrdreg s13  }
0xb: {  	[dreg:$0x7] =	wrdreg s16;
	s19 =	sshrl.u32 s1, $0x1;
	s20 =	sshrl.u32 s12, $0x2  }
0xc: {  	s21 =	sshrl.u32 s10, $0x1;
	s26 =	sshrl.u32 s8, $0x3;
	s9 =	sadd.s32 s8, s9  }
0xd: {  	s11 =	sadd.s32 s10, s11;
	s1 =	ssub.s32 s1, s19;
	s22 =	sadd.s32 s20, s3  }
0xe: {  	s16 =	sadd.s32 s0, s26;
	s20 =	simm.s32 $0x9000;
	s26 =	simm.s32 $0x6000  }
0xf: {  	s0 =	simm.s32 $0x3;
	s7 =	sadd.s32 s7, s6;
	s9 =	sshrl.u32 s9, $0x3  }
0x10: {  	s18 =	sshrl.u32 s11, $0x4;
	s11 =	sadd.s32 $0x1000, s22;
	s23 =	sadd.s32 $0x2000, s22  }
0x11: {  	s24 =	sadd.s32 $0x3000, s22;
	s10 =	sadd.s32 $0x4000, s22;
	[dreg:$0x9] =	wrdreg s11  }
0x12: {  	s19 =	smax.u32 s1, $0x1;
	s22 =	simm.s32 $0x5000;
	[dreg:$0xa] =	wrdreg s23  }
0x13: {  	s1 =	simm.s32 $0x2;
	s17 =	sadd.s32 s9, s6;
	[dreg:$0xb] =	wrdreg s24  }
0x14: {  	s6 =	sadd.s32 s18, s6;
	s9 =	sadd.s32 s21, s2;
	[dreg:$0xc] =	wrdreg s10  }
0x15: {  	s25 =	sadd.s32 $0x2600, s7;
	s15 =	sadd.s32 $0xC600, s7;
	s21 =	simm.s32 $0x5  }
0x16: {  	s23 =	simm.s32 $0x4;
	s7 =	simm.s32 $0x4F00;
	[dreg:$0x8] =	wrdreg s9  }
0x17: {  	s9 =	sadd.s32 s8, s3;
	[dreg:$0xd] =	wrdreg s25;
	s8 =	sadd.s32 s8, s4  }
0x18: {  	s17 =	sadd.s32 $0x1B600, s17;
	s18 =	sadd.s32 $0x16600, s6;
	s25 =	simm.s32 $0x80  }
0x19: {  	v0 =	vimm.f32 $0.0e+00;
	s6 =	simm.s32 $0x4E80;
	s24 =	sshrl.u32 s8, $0x3;
	s8 =	simm.s32 $0x4F80  }
.LBB2_1:
0x1a: {  	s10 =	simm.s32 $0x80;
	s11 =	simm.s32 $0x0  }
.LBB2_2:
0x1b: {  	p0 =	sne.s32 s10, $0x3F80;
	[tilespmem:s11+$0x5000] =	vst v0;
	s12 =	smov.u32 s10;
	s10 =	sadd.s32 $0x80, s10  }
.Ltmp0:
0x1c: {  	[tilespmem:s11+$0x5010] =	vst v0;
	(pc) =	sbr.rel @p0 .LBB2_2-.Ltmp0, $2  }
0x1d: {  	_ =	sdelay $0x2  }
0x1e: {  	s11 =	sshra.s32 s12, $0x2  }
0x1f: {  	[tilespmem:s11+$0x5000] =	vst v0  }
0x20: {  	[tilespmem:s11+$0x5010] =	vst v0;
	s12 =	simm.s32 $0x0;
	s10 =	rddreg [dreg:$0x6];
	s11 =	stileid.u32  }
0x21: {  	[tilespmem:s20], [sflag:$0x5] =	stream.linear.gather [hbm4b:s10+s12], $0x400, $0x38;
	[tilespmem:$0x145C0] =	vst v63  }
0x22: {  	s10 =	sshll.u32 s11, $0x6;
	_ =	swait.ge [sflag:s21], $0x400  }
0x23: {  	s10 =	sor.u32 $0x1C05, s10;
	[sflag:s21] =	ssyncset.done $0x0;
	s13 =	rddreg [dreg:$0x8]  }
0x24: {  	[sflag:s21] =	ssyncadd.s32 $0xFFFFFC00;
	s11 =	sshrl.u32 s13, $0x3;
	s13 =	rddreg [dreg:$0x7]  }
0x25: {  	[spmem:s11], [sflag:s10] =	dma.local [hbm:s13], $0x278  }
0x26: {  	_ =	swait.ge [sflag:s21], $0x278  }
0x27: {  	[sflag:s21] =	ssyncset.done $0x0  }
0x28: {  	[sflag:s21] =	ssyncadd.s32 $0xFFFFFD88  }
0x29: {  	[spmem:s9] =	stream.linear.scatter [tilespmem:s22], [sflag:$0x5], $0x1000, $0x38;
	[tilespmem:$0x145C0] =	vst v63  }
0x2a: {  	_ =	swait.ge [sflag:s21], $0x1000  }
0x2b: {  	[sflag:s21] =	ssyncset.done $0x0  }
0x2c: {  	s14 =	rddreg [dreg:$0x9];
	[sflag:s21] =	ssyncadd.s32 $0xFFFFF000  }
0x2d: {  	[spmem:s14] =	stream.linear.scatter [tilespmem:s22], [sflag:$0x5], $0x1000, $0x38;
	[tilespmem:$0x145C0] =	vst v63  }
0x2e: {  	_ =	swait.ge [sflag:s21], $0x1000  }
0x2f: {  	[sflag:s21] =	ssyncset.done $0x0  }
0x30: {  	s14 =	rddreg [dreg:$0xa];
	[sflag:s21] =	ssyncadd.s32 $0xFFFFF000  }
0x31: {  	[spmem:s14] =	stream.linear.scatter [tilespmem:s22], [sflag:$0x5], $0x1000, $0x38;
	[tilespmem:$0x145C0] =	vst v63  }
0x32: {  	_ =	swait.ge [sflag:s21], $0x1000  }
0x33: {  	[sflag:s21] =	ssyncset.done $0x0  }
0x34: {  	s14 =	rddreg [dreg:$0xb];
	[sflag:s21] =	ssyncadd.s32 $0xFFFFF000  }
0x35: {  	[spmem:s14] =	stream.linear.scatter [tilespmem:s22], [sflag:$0x5], $0x1000, $0x38;
	[tilespmem:$0x145C0] =	vst v63  }
0x36: {  	_ =	swait.ge [sflag:s21], $0x1000  }
0x37: {  	[sflag:s21] =	ssyncset.done $0x0  }
0x38: {  	s14 =	rddreg [dreg:$0xc];
	[sflag:s21] =	ssyncadd.s32 $0xFFFFF000  }
0x39: {  	[spmem:s14] =	stream.linear.scatter [tilespmem:s22], [sflag:$0x5], $0xF00, $0x38;
	[tilespmem:$0x145C0] =	vst v63  }
0x3a: {  	_ =	swait.ge [sflag:s21], $0xF00  }
0x3b: {  	[sflag:s21] =	ssyncset.done $0x0  }
0x3c: {  	s14 =	rddreg [dreg:$0xd];
	[sflag:s21] =	ssyncadd.s32 $0xFFFFF100  }
0x3d: {  	[tilespmem:s12], [sflag:$0x5] =	stream.linear.gather [hbm4b:s14+s12], $0x2800, $0x38;
	[tilespmem:$0x145C0] =	vst v63  }
0x3e: {  	_ =	swait.ge [sflag:s21], $0x2800  }
0x3f: {  	[sflag:s21] =	ssyncset.done $0x0  }
0x40: {  	s14 =	simm.s32 $0x2800;
	[sflag:s21] =	ssyncadd.s32 $0xFFFFD800  }
0x41: {  	[tilespmem:s14], [sflag:$0x5] =	stream.linear.gather [hbm4b:s15+s12], $0x2800, $0x38;
	[tilespmem:$0x145C0] =	vst v63  }
0x42: {  	_ =	swait.ge [sflag:s21], $0x2800  }
0x43: {  	[sflag:s21] =	ssyncset.done $0x0  }
0x44: {  	[sflag:s21] =	ssyncadd.s32 $0xFFFFD800  }
0x45: {  	[spmem:s24], [sflag:s10] =	dma.local [hbm:s16], $0x9E0  }
0x46: {  	_ =	swait.ge [sflag:s21], $0x9E0  }
0x47: {  	[sflag:s21] =	ssyncset.done $0x0  }
0x48: {  	[sflag:s21] =	ssyncadd.s32 $0xFFFFF620  }
0x49: {  	[bflag:$0x0] =	sbarrier.arrive $0xFFFF  }
0x4a: {  	[tilespmem:s22], [sflag:$0x1] =	stream.indirect.gather [spmem:s4], $0x20, s12, s25, $0xb8;
	[tilespmem:$0x145C0] =	vst v63  }
0x4b: {  	_ = 	snop  }
0x4c: {  	[tilespmem:s26], [sflag:$0x2] =	stream.indirect.gather [spmem:s4], $0x20, s25, s25, $0xb8;
	[tilespmem:$0x145C0] =	vst v63  }
0x4d: {  	s14 =	simm.s32 $0x100  }
0x4e: {  	[tilespmem:s29], [sflag:$0x3] =	stream.indirect.gather [spmem:s4], $0x20, s14, s25, $0xb8;
	[tilespmem:$0x145C0] =	vst v63  }
0x4f: {  	_ =	swait.ge [sflag:s30], $0x1000  }
0x50: {  	[sflag:s30] =	ssyncset.done $0x0  }
0x51: {  	s13 =	simm.s32 $0x180;
	[sflag:s30] =	ssyncadd.s32 $0xFFFFF000  }
0x52: {  	[tilespmem:s31], [sflag:$0x4] =	stream.indirect.gather [spmem:s4], $0x20, s13, s25, $0xb8;
	[tilespmem:$0x145C0] =	vst v63  }
0x53: {  	s14 =	simm.s32 $0x2800  }
0x54: {  	[spmem:s3] =	stream.indirect.scatter.add.f32 [tilespmem:s22], [sflag:$0x5], $0x20, s14, s25, $0xb8;
	[tilespmem:$0x145C0] =	vst v63  }
0x55: {  	_ =	swait.ge [sflag:s21], $0x1000  }
0x56: {  	[sflag:s21] =	ssyncset.done $0x0  }
0x57: {  	[sflag:s21] =	ssyncadd.s32 $0xFFFFF000  }
0x58: {  	[spmem:s2] =	stream.indirect.scatter.add.s16 [tilespmem:s20], [sflag:$0x5], $0x8, s14, s25, $0xb8;
	[tilespmem:$0x145C0] =	vst v63  }
0x59: {  	_ =	swait.ge [sflag:s21], $0x400  }
0x5a: {  	[sflag:s21] =	ssyncset.done $0x0  }
0x5b: {  	[sflag:s21] =	ssyncadd.s32 $0xFFFFFC00  }
0x5c: {  	_ =	swait.ge [sflag:s1], $0x1000  }
0x5d: {  	[sflag:s1] =	ssyncset.done $0x0  }
0x5e: {  	s13 =	simm.s32 $0x200;
	[sflag:s1] =	ssyncadd.s32 $0xFFFFF000  }
0x5f: {  	[tilespmem:s22], [sflag:$0x1] =	stream.indirect.gather [spmem:s4], $0x20, s13, s25, $0xb8;
	[tilespmem:$0x145C0] =	vst v63  }
0x60: {  	s14 =	simm.s32 $0x2880  }
0x61: {  	[spmem:s3] =	stream.indirect.scatter.add.f32 [tilespmem:s26], [sflag:$0x5], $0x20, s14, s25, $0xb8;
	[tilespmem:$0x145C0] =	vst v63  }
0x62: {  	_ =	swait.ge [sflag:s21], $0x1000  }
0x63: {  	[sflag:s21] =	ssyncset.done $0x0  }
0x64: {  	[sflag:s21] =	ssyncadd.s32 $0xFFFFF000  }
0x65: {  	[spmem:s2] =	stream.indirect.scatter.add.s16 [tilespmem:s20], [sflag:$0x5], $0x8, s14, s25, $0xb8;
	[tilespmem:$0x145C0] =	vst v63  }
0x66: {  	_ =	swait.ge [sflag:s21], $0x400  }
0x67: {  	[sflag:s21] =	ssyncset.done $0x0  }
0x68: {  	[sflag:s21] =	ssyncadd.s32 $0xFFFFFC00  }
0x69: {  	_ =	swait.ge [sflag:s0], $0x1000  }
0x6a: {  	[sflag:s0] =	ssyncset.done $0x0  }
0x6b: {  	s13 =	simm.s32 $0x280;
	[sflag:s0] =	ssyncadd.s32 $0xFFFFF000  }
0x6c: {  	[tilespmem:s26], [sflag:$0x2] =	stream.indirect.gather [spmem:s4], $0x20, s13, s25, $0xb8;
	[tilespmem:$0x145C0] =	vst v63  }
0x6d: {  	s14 =	simm.s32 $0x2900  }
0x6e: {  	[spmem:s3] =	stream.indirect.scatter.add.f32 [tilespmem:s29], [sflag:$0x5], $0x20, s14, s25, $0xb8;
	[tilespmem:$0x145C0] =	vst v63  }
0x6f: {  	_ =	swait.ge [sflag:s21], $0x1000  }
0x70: {  	[sflag:s21] =	ssyncset.done $0x0  }
0x71: {  	[sflag:s21] =	ssyncadd.s32 $0xFFFFF000  }
0x72: {  	[spmem:s2] =	stream.indirect.scatter.add.s16 [tilespmem:s20], [sflag:$0x5], $0x8, s14, s25, $0xb8;
	[tilespmem:$0x145C0] =	vst v63  }
0x73: {  	_ =	swait.ge [sflag:s21], $0x400  }
0x74: {  	[sflag:s21] =	ssyncset.done $0x0  }
0x75: {  	[sflag:s21] =	ssyncadd.s32 $0xFFFFFC00  }
0x76: {  	_ =	swait.ge [sflag:s23], $0x1000  }
0x77: {  	[sflag:s23] =	ssyncset.done $0x0  }
0x78: {  	s13 =	simm.s32 $0x300;
	[sflag:s23] =	ssyncadd.s32 $0xFFFFF000  }
0x79: {  	[tilespmem:s29], [sflag:$0x3] =	stream.indirect.gather [spmem:s4], $0x20, s13, s25, $0xb8;
	[tilespmem:$0x145C0] =	vst v63  }
0x7a: {  	s14 =	simm.s32 $0x2980  }
0x7b: {  	[spmem:s3] =	stream.indirect.scatter.add.f32 [tilespmem:s31], [sflag:$0x5], $0x20, s14, s25, $0xb8;
	[tilespmem:$0x145C0] =	vst v63  }
0x7c: {  	_ =	swait.ge [sflag:s21], $0x1000  }
0x7d: {  	[sflag:s21] =	ssyncset.done $0x0  }
0x7e: {  	[sflag:s21] =	ssyncadd.s32 $0xFFFFF000  }
0x7f: {  	[spmem:s2] =	stream.indirect.scatter.add.s16 [tilespmem:s20], [sflag:$0x5], $0x8, s14, s25, $0xb8;
	[tilespmem:$0x145C0] =	vst v63  }
0x80: {  	_ =	swait.ge [sflag:s21], $0x400  }
0x81: {  	s12 =	simm.s32 $0x800;
	[sflag:s21] =	ssyncset.done $0x0  }
.LBB2_4:
0x82: {  	p0 =	sne.s32 s12, $0x9000  }
0x83: {  	[sflag:s21] =	ssyncadd.s32 $0xFFFFFC00;
	s13 =	smov.u32 s12;
	s12 =	sadd.s32 $0x800, s12  }
0x84: {  	_ =	swait.ge [sflag:s30], $0x1000  }
0x85: {  	s13 =	sshra.s32 s13, $0x2;
	[sflag:s30] =	ssyncset.done $0x0  }
0x86: {  	s14 =	sadd.s32 $0x180, s13;
	[sflag:s30] =	ssyncadd.s32 $0xFFFFF000  }
0x87: {  	[tilespmem:s31], [sflag:$0x4] =	stream.indirect.gather [spmem:s4], $0x20, s14, s25, $0xb8;
	[tilespmem:$0x145C0] =	vst v63  }
0x88: {  	s14 =	sadd.s32 $0x2800, s13  }
0x89: {  	[spmem:s3] =	stream.indirect.scatter.add.f32 [tilespmem:s22], [sflag:$0x5], $0x20, s14, s25, $0xb8;
	[tilespmem:$0x145C0] =	vst v63  }
0x8a: {  	_ =	swait.ge [sflag:s21], $0x1000  }
0x8b: {  	[sflag:s21] =	ssyncset.done $0x0  }
0x8c: {  	[sflag:s21] =	ssyncadd.s32 $0xFFFFF000  }
0x8d: {  	[spmem:s2] =	stream.indirect.scatter.add.s16 [tilespmem:s20], [sflag:$0x5], $0x8, s14, s25, $0xb8;
	[tilespmem:$0x145C0] =	vst v63  }
0x8e: {  	_ =	swait.ge [sflag:s21], $0x400  }
0x8f: {  	[sflag:s21] =	ssyncset.done $0x0  }
0x90: {  	[sflag:s21] =	ssyncadd.s32 $0xFFFFFC00  }
0x91: {  	_ =	swait.ge [sflag:s1], $0x1000  }
0x92: {  	[sflag:s1] =	ssyncset.done $0x0  }
0x93: {  	s14 =	sadd.s32 $0x200, s13;
	[sflag:s1] =	ssyncadd.s32 $0xFFFFF000  }
0x94: {  	[tilespmem:s22], [sflag:$0x1] =	stream.indirect.gather [spmem:s4], $0x20, s14, s25, $0xb8;
	[tilespmem:$0x145C0] =	vst v63  }
0x95: {  	s14 =	sadd.s32 $0x2880, s13  }
0x96: {  	[spmem:s3] =	stream.indirect.scatter.add.f32 [tilespmem:s26], [sflag:$0x5], $0x20, s14, s25, $0xb8;
	[tilespmem:$0x145C0] =	vst v63  }
0x97: {  	_ =	swait.ge [sflag:s21], $0x1000  }
0x98: {  	[sflag:s21] =	ssyncset.done $0x0  }
0x99: {  	[sflag:s21] =	ssyncadd.s32 $0xFFFFF000  }
0x9a: {  	[spmem:s2] =	stream.indirect.scatter.add.s16 [tilespmem:s20], [sflag:$0x5], $0x8, s14, s25, $0xb8;
	[tilespmem:$0x145C0] =	vst v63  }
0x9b: {  	_ =	swait.ge [sflag:s21], $0x400  }
0x9c: {  	[sflag:s21] =	ssyncset.done $0x0  }
0x9d: {  	[sflag:s21] =	ssyncadd.s32 $0xFFFFFC00  }
0x9e: {  	_ =	swait.ge [sflag:s0], $0x1000  }
0x9f: {  	[sflag:s0] =	ssyncset.done $0x0  }
0xa0: {  	s14 =	sadd.s32 $0x280, s13;
	[sflag:s0] =	ssyncadd.s32 $0xFFFFF000  }
0xa1: {  	[tilespmem:s26], [sflag:$0x2] =	stream.indirect.gather [spmem:s4], $0x20, s14, s25, $0xb8;
	[tilespmem:$0x145C0] =	vst v63  }
0xa2: {  	s14 =	sadd.s32 $0x2900, s13  }
0xa3: {  	[spmem:s3] =	stream.indirect.scatter.add.f32 [tilespmem:s29], [sflag:$0x5], $0x20, s14, s25, $0xb8;
	[tilespmem:$0x145C0] =	vst v63  }
0xa4: {  	_ =	swait.ge [sflag:s21], $0x1000  }
0xa5: {  	[sflag:s21] =	ssyncset.done $0x0  }
0xa6: {  	[sflag:s21] =	ssyncadd.s32 $0xFFFFF000  }
0xa7: {  	[spmem:s2] =	stream.indirect.scatter.add.s16 [tilespmem:s20], [sflag:$0x5], $0x8, s14, s25, $0xb8;
	[tilespmem:$0x145C0] =	vst v63  }
0xa8: {  	_ =	swait.ge [sflag:s21], $0x400  }
0xa9: {  	[sflag:s21] =	ssyncset.done $0x0  }
0xaa: {  	[sflag:s21] =	ssyncadd.s32 $0xFFFFFC00  }
0xab: {  	_ =	swait.ge [sflag:s23], $0x1000  }
0xac: {  	[sflag:s23] =	ssyncset.done $0x0  }
0xad: {  	s14 =	sadd.s32 $0x300, s13;
	[sflag:s23] =	ssyncadd.s32 $0xFFFFF000  }
0xae: {  	[tilespmem:s29], [sflag:$0x3] =	stream.indirect.gather [spmem:s4], $0x20, s14, s25, $0xb8;
	[tilespmem:$0x145C0] =	vst v63  }
0xaf: {  	s13 =	sadd.s32 $0x2980, s13  }
0xb0: {  	[spmem:s3] =	stream.indirect.scatter.add.f32 [tilespmem:s31], [sflag:$0x5], $0x20, s13, s25, $0xb8;
	[tilespmem:$0x145C0] =	vst v63  }
0xb1: {  	_ =	swait.ge [sflag:s21], $0x1000  }
.Ltmp1:
0xb2: {  	[sflag:s21] =	ssyncset.done $0x0;
	(pc) =	sbr.rel @p0 .LBB2_4-.Ltmp1, $4  }
0xb3: {  	[sflag:s21] =	ssyncadd.s32 $0xFFFFF000  }
0xb4: {  	[spmem:s2] =	stream.indirect.scatter.add.s16 [tilespmem:s20], [sflag:$0x5], $0x8, s13, s25, $0xb8;
	[tilespmem:$0x145C0] =	vst v63  }
0xb5: {  	_ =	swait.ge [sflag:s21], $0x400  }
0xb6: {  	[sflag:s21] =	ssyncset.done $0x0  }
0xb7: {  	[sflag:s21] =	ssyncadd.s32 $0xFFFFFC00  }
0xb8: {  	_ =	swait.ge [sflag:s30], $0x1000  }
0xb9: {  	[sflag:s30] =	ssyncset.done $0x0  }
0xba: {  	s12 =	simm.s32 $0x2780;
	[sflag:s30] =	ssyncadd.s32 $0xFFFFF000  }
0xbb: {  	[tilespmem:s31], [sflag:$0x4] =	stream.indirect.gather [spmem:s4], $0x20, s12, s25, $0xb8;
	[tilespmem:$0x145C0] =	vst v63  }
0xbc: {  	_ = 	snop  }
0xbd: {  	[spmem:s3] =	stream.indirect.scatter.add.f32 [tilespmem:s22], [sflag:$0x5], $0x20, s28, s25, $0xb8;
	[tilespmem:$0x145C0] =	vst v63  }
0xbe: {  	_ =	swait.ge [sflag:s21], $0x1000  }
0xbf: {  	[sflag:s21] =	ssyncset.done $0x0  }
0xc0: {  	[sflag:s21] =	ssyncadd.s32 $0xFFFFF000  }
0xc1: {  	[spmem:s2] =	stream.indirect.scatter.add.s16 [tilespmem:s20], [sflag:$0x5], $0x8, s28, s25, $0xb8;
	[tilespmem:$0x145C0] =	vst v63  }
0xc2: {  	_ =	swait.ge [sflag:s21], $0x400  }
0xc3: {  	[sflag:s21] =	ssyncset.done $0x0  }
0xc4: {  	[sflag:s21] =	ssyncadd.s32 $0xFFFFFC00  }
0xc5: {  	_ =	swait.ge [sflag:s1], $0x1000  }
0xc6: {  	[sflag:s1] =	ssyncset.done $0x0  }
0xc7: {  	[sflag:s1] =	ssyncadd.s32 $0xFFFFF000  }
0xc8: {  	[spmem:s3] =	stream.indirect.scatter.add.f32 [tilespmem:s26], [sflag:$0x5], $0x20, s6, s25, $0xb8;
	[tilespmem:$0x145C0] =	vst v63  }
0xc9: {  	_ =	swait.ge [sflag:s21], $0x1000  }
0xca: {  	[sflag:s21] =	ssyncset.done $0x0  }
0xcb: {  	[sflag:s21] =	ssyncadd.s32 $0xFFFFF000  }
0xcc: {  	[spmem:s2] =	stream.indirect.scatter.add.s16 [tilespmem:s20], [sflag:$0x5], $0x8, s6, s25, $0xb8;
	[tilespmem:$0x145C0] =	vst v63  }
0xcd: {  	_ =	swait.ge [sflag:s21], $0x400  }
0xce: {  	[sflag:s21] =	ssyncset.done $0x0  }
0xcf: {  	[sflag:s21] =	ssyncadd.s32 $0xFFFFFC00  }
0xd0: {  	_ =	swait.ge [sflag:s0], $0x1000  }
0xd1: {  	[sflag:s0] =	ssyncset.done $0x0  }
0xd2: {  	[sflag:s0] =	ssyncadd.s32 $0xFFFFF000  }
0xd3: {  	[spmem:s3] =	stream.indirect.scatter.add.f32 [tilespmem:s29], [sflag:$0x5], $0x20, s7, s25, $0xb8;
	[tilespmem:$0x145C0] =	vst v63  }
0xd4: {  	_ =	swait.ge [sflag:s21], $0x1000  }
0xd5: {  	[sflag:s21] =	ssyncset.done $0x0  }
0xd6: {  	[sflag:s21] =	ssyncadd.s32 $0xFFFFF000  }
0xd7: {  	[spmem:s2] =	stream.indirect.scatter.add.s16 [tilespmem:s20], [sflag:$0x5], $0x8, s7, s25, $0xb8;
	[tilespmem:$0x145C0] =	vst v63  }
0xd8: {  	_ =	swait.ge [sflag:s21], $0x400  }
0xd9: {  	[sflag:s21] =	ssyncset.done $0x0  }
0xda: {  	[sflag:s21] =	ssyncadd.s32 $0xFFFFFC00  }
0xdb: {  	_ =	swait.ge [sflag:s23], $0x1000  }
0xdc: {  	[sflag:s23] =	ssyncset.done $0x0  }
0xdd: {  	[sflag:s23] =	ssyncadd.s32 $0xFFFFF000  }
0xde: {  	[spmem:s3] =	stream.indirect.scatter.add.f32 [tilespmem:s31], [sflag:$0x5], $0x20, s8, s25, $0xb8;
	[tilespmem:$0x145C0] =	vst v63  }
0xdf: {  	_ =	swait.ge [sflag:s21], $0x1000  }
0xe0: {  	[sflag:s21] =	ssyncset.done $0x0  }
0xe1: {  	[sflag:s21] =	ssyncadd.s32 $0xFFFFF000  }
0xe2: {  	[spmem:s2] =	stream.indirect.scatter.add.s16 [tilespmem:s20], [sflag:$0x5], $0x8, s8, s25, $0xb8;
	[tilespmem:$0x145C0] =	vst v63  }
0xe3: {  	_ =	swait.ge [sflag:s21], $0x400  }
0xe4: {  	[sflag:s21] =	ssyncset.done $0x0  }
0xe5: {  	[sflag:s21] =	ssyncadd.s32 $0xFFFFFC00  }
0xe6: {  	s14 =	sshrl.u32 s9, $0x3;
	[bflag:$0x0] =	sbarrier.arrive $0xFFFF  }
0xe7: {  	[hbm:s17], [sflag:s10] =	dma.local [spmem:s14], $0x9E0  }
0xe8: {  	s5 =	sadd.s32 $0x1, s5;
	_ =	swait.ge [sflag:s21], $0x9E0  }
0xe9: {  	p0 =	sne.s32 s5, s19;
	[sflag:s21] =	ssyncset.done $0x0  }
.Ltmp2:
0xea: {  	[sflag:s21] =	ssyncadd.s32 $0xFFFFF620;
	(pc) =	sbr.rel @p0 .LBB2_1-.Ltmp2, $4  }
0xeb: {  	[hbm:s18], [sflag:s10] =	dma.local [spmem:s11], $0x278  }
0xec: {  	_ =	swait.ge [sflag:s21], $0x278  }
0xed: {  	[sflag:s21] =	ssyncset.done $0x0  }
0xee: {  	[sflag:s21] =	ssyncadd.s32 $0xFFFFFD88  }
0xef: {  	_ =	sfence.sel $0x180000  }
0xf0: {  	[bflag:$0x0] =	sbarrier.arrive $0xFFFF  }
0xf1: {  	_ =	strace $0x90000047  }
0xf2: {  	s0 =	stileid.u32;
	[bflag:$0x2] =	sbarrier.arrive $0xFFFF  }
0xf3: {  	p0 =	sne.s32 s0, $0x0;
	s0 =	rddreg [dreg:$0x5]  }
0xf4: {  	s0 =	sadd.s32 @!p0 $0x100000, s0  }
0xf5: {  	[sflag:s0] =	ssyncadd.tile.s32 @!p0 $0x1;
	_ =	shalt  }
.Lfunc_end2:
_tile_overlayer_lowered:
.L_overlay_start_2:
0xf6: {  	(tag) =	ssettag $0x2  }
0xf7: {  	s0 =	rddreg [dreg:$0x0];
	s2 =	stileid.u32  }
0xf8: {  	s1 =	rddreg [dreg:$0x1];
	p0 =	sne.s32 s2, $0x0  }
0xf9: {  	s3 =	rddreg [dreg:$0x2];
	[bflag:$0x3] =	sbarrier.arrive $0xFFFF;
	s2 =	simm.s32 @!p0 $0x1C05  }
0xfa: {  	[timem:s3], [sflag:s2] =	dma.local @!p0 [hbm:s0], s1  }
0xfb: {  	s0 =	simm.s32 @!p0 $0x5  }
0xfc: {  	_ =	swait.ge @!p0 [sflag:s0], s1  }
0xfd: {  	s1 =	ssub.s32 @!p0 $0x0, s1;
	[sflag:s0] =	ssyncset.done @!p0 $0x0  }
0xfe: {  	[sflag:s0] =	ssyncadd.s32 @!p0 s1  }
0xff: {  	[bflag:$0x3] =	sbarrier.arrive $0xFFFF  }
0x100: {  	_ =	shalt  }

</sc_bundles>
